<compile_context>
chip_gen: v7x
topology: tpu7x:2x2x1
jax: 0.10.2.dev20260603
libtpu: 0.0.44.dev20260713+nightly
codegen_flags: <defaults>
</compile_context>

<pallas_src>
import functools

import jax
import jax.numpy as jnp
from jax import lax
from jax.experimental import pallas as pl
from jax.experimental.pallas import tpu as pltpu
from jax.experimental.pallas import tpu_sc as plsc

_N = 10000
_E = 320000
_D = 128
_H = 128
_C = 10
_G = 64

_NW = 32
_B = 128
_K0 = 120
_K1 = 40
_KM = max(_K0, _K1)
_NG = 16 * (_K0 + _K1)
_EPAD = _NG * _B
_NPAD = 10240
_CH = _NPAD // 16


def _sc_body(x_hbm, src_hbm, dst_hbm, z2_hbm, z1_hbm, on_hbm,
             agg_out, deg_out,
             src_v, dst_v, rows_v, ones_v, agg_sh, deg_sh):
    cid = lax.axis_index("c")
    sid = lax.axis_index("s")
    base = sid * _CH

    for k in range(_CH // 128):
        pltpu.sync_copy(z2_hbm, agg_sh.at[pl.ds(base + k * 128, 128)])
    pltpu.sync_copy(z1_hbm, deg_sh.at[pl.ds(base, _CH)])
    pltpu.sync_copy(on_hbm, ones_v)
    plsc.subcore_barrier()

    def body(j, carry):
        pltpu.sync_copy(x_hbm.at[src_v.at[j]], rows_v)
        pltpu.sync_copy(rows_v, agg_sh.at[dst_v.at[j]], add=True)
        pltpu.sync_copy(ones_v, deg_sh.at[dst_v.at[j]], add=True)
        return carry

    @pl.when(cid == 0)
    def _():
        g0 = sid * _K0
        pltpu.sync_copy(src_hbm.at[pl.ds(g0, _K0)], src_v.at[pl.ds(0, _K0)])
        pltpu.sync_copy(dst_hbm.at[pl.ds(g0, _K0)], dst_v.at[pl.ds(0, _K0)])
        lax.fori_loop(0, _K0, body, 0)

    @pl.when(cid == 1)
    def _():
        g0 = 16 * _K0 + sid * _K1
        pltpu.sync_copy(src_hbm.at[pl.ds(g0, _K1)], src_v.at[pl.ds(0, _K1)])
        pltpu.sync_copy(dst_hbm.at[pl.ds(g0, _K1)], dst_v.at[pl.ds(0, _K1)])
        lax.fori_loop(0, _K1, body, 0)

    plsc.subcore_barrier()

    pltpu.sync_copy(agg_sh.at[pl.ds(base, _CH)],
                    agg_out.at[cid, pl.ds(base, _CH)])
    pltpu.sync_copy(deg_sh.at[pl.ds(base, _CH)],
                    deg_out.at[cid, pl.ds(base, _CH)])


@functools.cache
def _sc_call():
    return pl.kernel(
        _sc_body,
        out_type=(
            jax.ShapeDtypeStruct((2, _NPAD, _D), jnp.float32),
            jax.ShapeDtypeStruct((2, _NPAD), jnp.float32),
        ),
        mesh=plsc.VectorSubcoreMesh(core_axis_name="c", subcore_axis_name="s"),
        scratch_types=[
            pltpu.VMEM((_KM, _B), jnp.int32),
            pltpu.VMEM((_KM, _B), jnp.int32),
            pltpu.VMEM((_B, _D), jnp.float32),
            pltpu.VMEM((_B,), jnp.float32),
            pltpu.VMEM_SHARED((_NPAD, _D), jnp.float32),
            pltpu.VMEM_SHARED((_NPAD,), jnp.float32),
        ],
    )


def _tc_body(agg_ref, deg_ref, x_ref, b_ref, wc_ref, bc_ref, g_ref, be_ref,
             wl_ref, bl_ref, o_ref):
    agg = agg_ref[0] + agg_ref[1]
    deg = deg_ref[0] + deg_ref[1]
    scale = 1.0 / jnp.maximum(deg, 1.0)
    a = (agg * jnp.reshape(scale, (_NPAD, 1)))[:_N]
    z = jnp.dot(a, wc_ref[...], preferred_element_type=jnp.float32)
    z = z + bc_ref[...]
    mu = jnp.mean(z, axis=0, keepdims=True)
    var = jnp.mean((z - mu) ** 2, axis=0, keepdims=True)
    h = (z - mu) / jnp.sqrt(var + 1e-5) * g_ref[...] + be_ref[...]
    h = h + x_ref[...]
    m = (b_ref[...] == lax.broadcasted_iota(jnp.int32, (_N, _G), 1))
    m = m.astype(jnp.float32)
    sums = lax.dot_general(m, h, (((0,), (0,)), ((), ())),
                           preferred_element_type=jnp.float32)
    cnt = lax.dot_general(m, jnp.ones((_N, 1), jnp.float32),
                          (((0,), (0,)), ((), ())),
                          preferred_element_type=jnp.float32)
    pooled = sums / jnp.maximum(cnt, 1.0)
    o_ref[...] = jnp.dot(pooled, wl_ref[...],
                         preferred_element_type=jnp.float32) + bl_ref[...]


_tc_call = pl.pallas_call(
    _tc_body,
    out_shape=jax.ShapeDtypeStruct((_G, _C), jnp.float32),
)


def kernel(x, edge_index, batch, W_conv, b_conv, gamma, beta, W_lin, b_lin):
    src = edge_index[0]
    dst = edge_index[1]
    pad = _EPAD - _E
    src_p = jnp.concatenate([src, jnp.zeros((pad,), jnp.int32)])
    dst_p = jnp.concatenate([dst, jnp.full((pad,), _N, jnp.int32)])
    src_p = src_p.reshape(_NG, _B)
    dst_p = dst_p.reshape(_NG, _B)
    z2 = jnp.zeros((128, _D), jnp.float32)
    z1 = jnp.zeros((_CH,), jnp.float32)
    on1 = jnp.ones((_B,), jnp.float32)
    agg2, deg2 = _sc_call()(x, src_p, dst_p, z2, z1, on1)
    return _tc_call(agg2, deg2, x, batch.reshape(_N, 1), W_conv,
                    b_conv.reshape(1, _H), gamma.reshape(1, _H),
                    beta.reshape(1, _H), W_lin, b_lin.reshape(1, _C))

# --- scband reference (transcript-rebuilt; emitter-appended) ---
"""Pipeline reference for scband-base-gnn-42030549958860 (READ-ONLY COPY).

The authoritative reference and input builder live on the scoring server;
editing this copy changes nothing except your own understanding.
"""

import jax, jax.numpy as jnp
import numpy as np

N = 10000
E = 320000
D = 128
H = 128
C = 10
G = 64


def setup_inputs(seed: int = 0) -> dict:
    key = jax.random.key(seed)
    ks = jax.random.split(key, 6)
    x = jax.random.normal(ks[0], (N, D), dtype=jnp.float32)
    edge_index = jax.random.randint(ks[1], (2, E), 0, N, dtype=jnp.int32)
    batch = jnp.sort(jax.random.randint(ks[2], (N,), 0, G, dtype=jnp.int32))
    W_conv = jax.random.normal(ks[3], (D, H), dtype=jnp.float32) * (1.0 / np.sqrt(D))
    b_conv = jnp.zeros((H,), dtype=jnp.float32)
    gamma = jnp.ones((H,), dtype=jnp.float32)
    beta = jnp.zeros((H,), dtype=jnp.float32)
    W_lin = jax.random.normal(ks[4], (H, C), dtype=jnp.float32) * (1.0 / np.sqrt(H))
    b_lin = jnp.zeros((C,), dtype=jnp.float32)
    return {"x": x, "edge_index": edge_index, "batch": batch,
            "W_conv": W_conv, "b_conv": b_conv, "gamma": gamma, "beta": beta,
            "W_lin": W_lin, "b_lin": b_lin}


def reference(x, edge_index, batch, W_conv, b_conv, gamma, beta, W_lin, b_lin):
    # Mean-aggregation graph convolution (conv)
    src = edge_index[0]
    dst = edge_index[1]
    msg = jnp.take(x, src, axis=0)                                   # gather [E, D]
    agg = jax.ops.segment_sum(msg, dst, num_segments=N)              # scatter-add [N, D]
    deg = jax.ops.segment_sum(jnp.ones((E,), dtype=x.dtype), dst, num_segments=N)
    agg = agg / jnp.clip(deg, 1.0)[:, None]
    h = agg @ W_conv + b_conv                                        # [N, H]
    # BatchNorm1d (training-mode batch statistics over node dim)
    mu = jnp.mean(h, axis=0)
    var = jnp.var(h, axis=0)
    h = (h - mu) / jnp.sqrt(var + 1e-5) * gamma + beta
    # Residual (in_channels == hidden_dim -> Identity projection)
    h = h + x
    # global_mean_pool over batch assignment
    counts = jax.ops.segment_sum(jnp.ones((N,), dtype=h.dtype), batch, num_segments=G)
    pooled = jax.ops.segment_sum(h, batch, num_segments=G) / jnp.clip(counts, 1.0)[:, None]
    # Final classifier
    return pooled @ W_lin + b_lin                                    # [G, C]

if __name__ == "__main__":
    import jax
    _d = setup_inputs()
    print(jax.jit(kernel)(*tuple(_d.values())))

</pallas_src>

<mosaic_0001>
#map = affine_map<(d0, d1) -> (0, 0)>
#map1 = affine_map<(d0, d1) -> (0)>
#map2 = affine_map<(d0, d1) -> (0, 0, 0)>
module attributes {stable_mosaic.version = 14 : i64} {
  func.func @_sc_body(%arg0: i32, %arg1: i32, %arg2: memref<10000x128xf32, #tpu.memory_space<hbm>>, %arg3: memref<2560x128xi32, #tpu.memory_space<hbm>>, %arg4: memref<2560x128xi32, #tpu.memory_space<hbm>>, %arg5: memref<128x128xf32, #tpu.memory_space<hbm>>, %arg6: memref<640xf32, #tpu.memory_space<hbm>>, %arg7: memref<128xf32, #tpu.memory_space<hbm>>, %arg8: memref<2x10240x128xf32, #tpu.memory_space<hbm>>, %arg9: memref<2x10240xf32, #tpu.memory_space<hbm>>, %arg10: memref<120x128xi32, #tpu.memory_space<vmem>>, %arg11: memref<120x128xi32, #tpu.memory_space<vmem>>, %arg12: memref<128x128xf32, #tpu.memory_space<vmem>>, %arg13: memref<128xf32, #tpu.memory_space<vmem>>, %arg14: memref<10240x128xf32, #tpu.memory_space<vmem_shared>>, %arg15: memref<10240xf32, #tpu.memory_space<vmem_shared>>) attributes {dimension_semantics = [#tpu.dimension_semantics<core_parallel>, #tpu.dimension_semantics<subcore_parallel>], iteration_bounds = array<i64: 2, 16>, scalar_prefetch = 0 : i64, scratch_operands = 6 : i64, tpu.core_type = #tpu.core_type<sc_vector_subcore>, window_params = [{transform_indices = #map}, {transform_indices = #map}, {transform_indices = #map}, {transform_indices = #map}, {transform_indices = #map1}, {transform_indices = #map1}, {transform_indices = #map2}, {transform_indices = #map}]} {
    %mul3A = arith.constant 640 : i32
    %mul3A_0 = arith.muli %arg1, %mul3A : i32
    %add3A = arith.constant 0 : i32
    %add3A_1 = arith.addi %mul3A_0, %add3A : i32
    "tpu.region"() ({
      %run_scoped3A = tpu.sem_alloc : memref<!tpu.dma_semaphore, #tpu.memory_space<semaphore_mem>>
      %dma_start3A = arith.constant 0 : i32
      %dma_start3A_18 = tpu.memref_slice %arg14[%add3A_1, %dma_start3A] : memref<10240x128xf32, #tpu.memory_space<vmem_shared>> -> memref<128x128xf32, #tpu.memory_space<vmem_shared>>
      tpu.enqueue_dma source(%arg5 : memref<128x128xf32, #tpu.memory_space<hbm>>) target(%dma_start3A_18 : memref<128x128xf32, #tpu.memory_space<vmem_shared>>) target_semaphore(%run_scoped3A : memref<!tpu.dma_semaphore, #tpu.memory_space<semaphore_mem>>)
      %dma_wait3A = arith.constant 0 : i32
      %dma_wait3A_19 = tpu.memref_slice %arg14[%add3A_1, %dma_wait3A] : memref<10240x128xf32, #tpu.memory_space<vmem_shared>> -> memref<128x128xf32, #tpu.memory_space<vmem_shared>>
      tpu.wait_dma2 semaphore(%run_scoped3A : memref<!tpu.dma_semaphore, #tpu.memory_space<semaphore_mem>>) src(%arg5 : memref<128x128xf32, #tpu.memory_space<hbm>>) dst(%dma_wait3A_19 : memref<128x128xf32, #tpu.memory_space<vmem_shared>>)
      tpu.yield
    }) : () -> ()
    %add3A_2 = arith.constant 128 : i32
    %add3A_3 = arith.addi %mul3A_0, %add3A_2 : i32
    "tpu.region"() ({
      %run_scoped3A = tpu.sem_alloc : memref<!tpu.dma_semaphore, #tpu.memory_space<semaphore_mem>>
      %dma_start3A = arith.constant 0 : i32
      %dma_start3A_18 = tpu.memref_slice %arg14[%add3A_3, %dma_start3A] : memref<10240x128xf32, #tpu.memory_space<vmem_shared>> -> memref<128x128xf32, #tpu.memory_space<vmem_shared>>
      tpu.enqueue_dma source(%arg5 : memref<128x128xf32, #tpu.memory_space<hbm>>) target(%dma_start3A_18 : memref<128x128xf32, #tpu.memory_space<vmem_shared>>) target_semaphore(%run_scoped3A : memref<!tpu.dma_semaphore, #tpu.memory_space<semaphore_mem>>)
      %dma_wait3A = arith.constant 0 : i32
      %dma_wait3A_19 = tpu.memref_slice %arg14[%add3A_3, %dma_wait3A] : memref<10240x128xf32, #tpu.memory_space<vmem_shared>> -> memref<128x128xf32, #tpu.memory_space<vmem_shared>>
      tpu.wait_dma2 semaphore(%run_scoped3A : memref<!tpu.dma_semaphore, #tpu.memory_space<semaphore_mem>>) src(%arg5 : memref<128x128xf32, #tpu.memory_space<hbm>>) dst(%dma_wait3A_19 : memref<128x128xf32, #tpu.memory_space<vmem_shared>>)
      tpu.yield
    }) : () -> ()
    %add3A_4 = arith.constant 256 : i32
    %add3A_5 = arith.addi %mul3A_0, %add3A_4 : i32
    "tpu.region"() ({
      %run_scoped3A = tpu.sem_alloc : memref<!tpu.dma_semaphore, #tpu.memory_space<semaphore_mem>>
      %dma_start3A = arith.constant 0 : i32
      %dma_start3A_18 = tpu.memref_slice %arg14[%add3A_5, %dma_start3A] : memref<10240x128xf32, #tpu.memory_space<vmem_shared>> -> memref<128x128xf32, #tpu.memory_space<vmem_shared>>
      tpu.enqueue_dma source(%arg5 : memref<128x128xf32, #tpu.memory_space<hbm>>) target(%dma_start3A_18 : memref<128x128xf32, #tpu.memory_space<vmem_shared>>) target_semaphore(%run_scoped3A : memref<!tpu.dma_semaphore, #tpu.memory_space<semaphore_mem>>)
      %dma_wait3A = arith.constant 0 : i32
      %dma_wait3A_19 = tpu.memref_slice %arg14[%add3A_5, %dma_wait3A] : memref<10240x128xf32, #tpu.memory_space<vmem_shared>> -> memref<128x128xf32, #tpu.memory_space<vmem_shared>>
      tpu.wait_dma2 semaphore(%run_scoped3A : memref<!tpu.dma_semaphore, #tpu.memory_space<semaphore_mem>>) src(%arg5 : memref<128x128xf32, #tpu.memory_space<hbm>>) dst(%dma_wait3A_19 : memref<128x128xf32, #tpu.memory_space<vmem_shared>>)
      tpu.yield
    }) : () -> ()
    %add3A_6 = arith.constant 384 : i32
    %add3A_7 = arith.addi %mul3A_0, %add3A_6 : i32
    "tpu.region"() ({
      %run_scoped3A = tpu.sem_alloc : memref<!tpu.dma_semaphore, #tpu.memory_space<semaphore_mem>>
      %dma_start3A = arith.constant 0 : i32
      %dma_start3A_18 = tpu.memref_slice %arg14[%add3A_7, %dma_start3A] : memref<10240x128xf32, #tpu.memory_space<vmem_shared>> -> memref<128x128xf32, #tpu.memory_space<vmem_shared>>
      tpu.enqueue_dma source(%arg5 : memref<128x128xf32, #tpu.memory_space<hbm>>) target(%dma_start3A_18 : memref<128x128xf32, #tpu.memory_space<vmem_shared>>) target_semaphore(%run_scoped3A : memref<!tpu.dma_semaphore, #tpu.memory_space<semaphore_mem>>)
      %dma_wait3A = arith.constant 0 : i32
      %dma_wait3A_19 = tpu.memref_slice %arg14[%add3A_7, %dma_wait3A] : memref<10240x128xf32, #tpu.memory_space<vmem_shared>> -> memref<128x128xf32, #tpu.memory_space<vmem_shared>>
      tpu.wait_dma2 semaphore(%run_scoped3A : memref<!tpu.dma_semaphore, #tpu.memory_space<semaphore_mem>>) src(%arg5 : memref<128x128xf32, #tpu.memory_space<hbm>>) dst(%dma_wait3A_19 : memref<128x128xf32, #tpu.memory_space<vmem_shared>>)
      tpu.yield
    }) : () -> ()
    %add3A_8 = arith.constant 512 : i32
    %add3A_9 = arith.addi %mul3A_0, %add3A_8 : i32
    "tpu.region"() ({
      %run_scoped3A = tpu.sem_alloc : memref<!tpu.dma_semaphore, #tpu.memory_space<semaphore_mem>>
      %dma_start3A = arith.constant 0 : i32
      %dma_start3A_18 = tpu.memref_slice %arg14[%add3A_9, %dma_start3A] : memref<10240x128xf32, #tpu.memory_space<vmem_shared>> -> memref<128x128xf32, #tpu.memory_space<vmem_shared>>
      tpu.enqueue_dma source(%arg5 : memref<128x128xf32, #tpu.memory_space<hbm>>) target(%dma_start3A_18 : memref<128x128xf32, #tpu.memory_space<vmem_shared>>) target_semaphore(%run_scoped3A : memref<!tpu.dma_semaphore, #tpu.memory_space<semaphore_mem>>)
      %dma_wait3A = arith.constant 0 : i32
      %dma_wait3A_19 = tpu.memref_slice %arg14[%add3A_9, %dma_wait3A] : memref<10240x128xf32, #tpu.memory_space<vmem_shared>> -> memref<128x128xf32, #tpu.memory_space<vmem_shared>>
      tpu.wait_dma2 semaphore(%run_scoped3A : memref<!tpu.dma_semaphore, #tpu.memory_space<semaphore_mem>>) src(%arg5 : memref<128x128xf32, #tpu.memory_space<hbm>>) dst(%dma_wait3A_19 : memref<128x128xf32, #tpu.memory_space<vmem_shared>>)
      tpu.yield
    }) : () -> ()
    "tpu.region"() ({
      %run_scoped3A = tpu.sem_alloc : memref<!tpu.dma_semaphore, #tpu.memory_space<semaphore_mem>>
      %dma_start3A = tpu.memref_slice %arg15[%mul3A_0] : memref<10240xf32, #tpu.memory_space<vmem_shared>> -> memref<640xf32, #tpu.memory_space<vmem_shared>>
      tpu.enqueue_dma source(%arg6 : memref<640xf32, #tpu.memory_space<hbm>>) target(%dma_start3A : memref<640xf32, #tpu.memory_space<vmem_shared>>) target_semaphore(%run_scoped3A : memref<!tpu.dma_semaphore, #tpu.memory_space<semaphore_mem>>)
      %dma_wait3A = tpu.memref_slice %arg15[%mul3A_0] : memref<10240xf32, #tpu.memory_space<vmem_shared>> -> memref<640xf32, #tpu.memory_space<vmem_shared>>
      tpu.wait_dma2 semaphore(%run_scoped3A : memref<!tpu.dma_semaphore, #tpu.memory_space<semaphore_mem>>) src(%arg6 : memref<640xf32, #tpu.memory_space<hbm>>) dst(%dma_wait3A : memref<640xf32, #tpu.memory_space<vmem_shared>>)
      tpu.yield
    }) : () -> ()
    "tpu.region"() ({
      %run_scoped3A = tpu.sem_alloc : memref<!tpu.dma_semaphore, #tpu.memory_space<semaphore_mem>>
      tpu.enqueue_dma source(%arg7 : memref<128xf32, #tpu.memory_space<hbm>>) target(%arg13 : memref<128xf32, #tpu.memory_space<vmem>>) target_semaphore(%run_scoped3A : memref<!tpu.dma_semaphore, #tpu.memory_space<semaphore_mem>>)
      tpu.wait_dma2 semaphore(%run_scoped3A : memref<!tpu.dma_semaphore, #tpu.memory_space<semaphore_mem>>) src(%arg7 : memref<128xf32, #tpu.memory_space<hbm>>) dst(%arg13 : memref<128xf32, #tpu.memory_space<vmem>>)
      tpu.yield
    }) : () -> ()
    %barrier3A = arith.constant 0 : index
    tpu.barrier barrier_id(%barrier3A)
    %eq3A = arith.constant 0 : i32
    %eq3A_10 = arith.cmpi eq, %arg0, %eq3A : i32
    %convert_element_type3A = arith.extui %eq3A_10 : i1 to i32
    %cond3A = arith.constant 0 : i32
    %cond3A_11 = arith.cmpi ne, %convert_element_type3A, %cond3A : i32
    scf.if %cond3A_11 {
      %mul3A_18 = arith.constant 120 : i32
      %mul3A_19 = arith.muli %arg1, %mul3A_18 : i32
      "tpu.region"() ({
        %run_scoped3A = tpu.sem_alloc : memref<!tpu.dma_semaphore, #tpu.memory_space<semaphore_mem>>
        %dma_start3A = arith.constant 0 : i32
        %dma_start3A_25 = arith.constant 0 : i32
        %dma_start3A_26 = tpu.memref_slice %arg10[%dma_start3A, %dma_start3A_25] : memref<120x128xi32, #tpu.memory_space<vmem>> -> memref<120x128xi32, #tpu.memory_space<vmem>>
        %dma_start3A_27 = arith.constant 0 : i32
        %dma_start3A_28 = tpu.memref_slice %arg3[%mul3A_19, %dma_start3A_27] : memref<2560x128xi32, #tpu.memory_space<hbm>> -> memref<120x128xi32, #tpu.memory_space<hbm>>
        %dma_start3A_29 = arith.constant 0 : i32
        %dma_start3A_30 = arith.constant 0 : i32
        %dma_start3A_31 = tpu.memref_slice %arg10[%dma_start3A_29, %dma_start3A_30] : memref<120x128xi32, #tpu.memory_space<vmem>> -> memref<120x128xi32, #tpu.memory_space<vmem>>
        %dma_start3A_32 = arith.constant 0 : i32
        %dma_start3A_33 = tpu.memref_slice %arg3[%mul3A_19, %dma_start3A_32] : memref<2560x128xi32, #tpu.memory_space<hbm>> -> memref<120x128xi32, #tpu.memory_space<hbm>>
        tpu.enqueue_dma source(%dma_start3A_33 : memref<120x128xi32, #tpu.memory_space<hbm>>) target(%dma_start3A_31 : memref<120x128xi32, #tpu.memory_space<vmem>>) target_semaphore(%run_scoped3A : memref<!tpu.dma_semaphore, #tpu.memory_space<semaphore_mem>>)
        %dma_wait3A = arith.constant 0 : i32
        %dma_wait3A_34 = arith.constant 0 : i32
        %dma_wait3A_35 = tpu.memref_slice %arg10[%dma_wait3A, %dma_wait3A_34] : memref<120x128xi32, #tpu.memory_space<vmem>> -> memref<120x128xi32, #tpu.memory_space<vmem>>
        %dma_wait3A_36 = arith.constant 0 : i32
        %dma_wait3A_37 = tpu.memref_slice %arg3[%mul3A_19, %dma_wait3A_36] : memref<2560x128xi32, #tpu.memory_space<hbm>> -> memref<120x128xi32, #tpu.memory_space<hbm>>
        %dma_wait3A_38 = arith.constant 0 : i32
        %dma_wait3A_39 = arith.constant 0 : i32
        %dma_wait3A_40 = tpu.memref_slice %arg10[%dma_wait3A_38, %dma_wait3A_39] : memref<120x128xi32, #tpu.memory_space<vmem>> -> memref<120x128xi32, #tpu.memory_space<vmem>>
        %dma_wait3A_41 = arith.constant 0 : i32
        %dma_wait3A_42 = tpu.memref_slice %arg3[%mul3A_19, %dma_wait3A_41] : memref<2560x128xi32, #tpu.memory_space<hbm>> -> memref<120x128xi32, #tpu.memory_space<hbm>>
        tpu.wait_dma2 semaphore(%run_scoped3A : memref<!tpu.dma_semaphore, #tpu.memory_space<semaphore_mem>>) src(%dma_wait3A_42 : memref<120x128xi32, #tpu.memory_space<hbm>>) dst(%dma_wait3A_40 : memref<120x128xi32, #tpu.memory_space<vmem>>)
        tpu.yield
      }) : () -> ()
      "tpu.region"() ({
        %run_scoped3A = tpu.sem_alloc : memref<!tpu.dma_semaphore, #tpu.memory_space<semaphore_mem>>
        %dma_start3A = arith.constant 0 : i32
        %dma_start3A_25 = arith.constant 0 : i32
        %dma_start3A_26 = tpu.memref_slice %arg11[%dma_start3A, %dma_start3A_25] : memref<120x128xi32, #tpu.memory_space<vmem>> -> memref<120x128xi32, #tpu.memory_space<vmem>>
        %dma_start3A_27 = arith.constant 0 : i32
        %dma_start3A_28 = tpu.memref_slice %arg4[%mul3A_19, %dma_start3A_27] : memref<2560x128xi32, #tpu.memory_space<hbm>> -> memref<120x128xi32, #tpu.memory_space<hbm>>
        %dma_start3A_29 = arith.constant 0 : i32
        %dma_start3A_30 = arith.constant 0 : i32
        %dma_start3A_31 = tpu.memref_slice %arg11[%dma_start3A_29, %dma_start3A_30] : memref<120x128xi32, #tpu.memory_space<vmem>> -> memref<120x128xi32, #tpu.memory_space<vmem>>
        %dma_start3A_32 = arith.constant 0 : i32
        %dma_start3A_33 = tpu.memref_slice %arg4[%mul3A_19, %dma_start3A_32] : memref<2560x128xi32, #tpu.memory_space<hbm>> -> memref<120x128xi32, #tpu.memory_space<hbm>>
        tpu.enqueue_dma source(%dma_start3A_33 : memref<120x128xi32, #tpu.memory_space<hbm>>) target(%dma_start3A_31 : memref<120x128xi32, #tpu.memory_space<vmem>>) target_semaphore(%run_scoped3A : memref<!tpu.dma_semaphore, #tpu.memory_space<semaphore_mem>>)
        %dma_wait3A = arith.constant 0 : i32
        %dma_wait3A_34 = arith.constant 0 : i32
        %dma_wait3A_35 = tpu.memref_slice %arg11[%dma_wait3A, %dma_wait3A_34] : memref<120x128xi32, #tpu.memory_space<vmem>> -> memref<120x128xi32, #tpu.memory_space<vmem>>
        %dma_wait3A_36 = arith.constant 0 : i32
        %dma_wait3A_37 = tpu.memref_slice %arg4[%mul3A_19, %dma_wait3A_36] : memref<2560x128xi32, #tpu.memory_space<hbm>> -> memref<120x128xi32, #tpu.memory_space<hbm>>
        %dma_wait3A_38 = arith.constant 0 : i32
        %dma_wait3A_39 = arith.constant 0 : i32
        %dma_wait3A_40 = tpu.memref_slice %arg11[%dma_wait3A_38, %dma_wait3A_39] : memref<120x128xi32, #tpu.memory_space<vmem>> -> memref<120x128xi32, #tpu.memory_space<vmem>>
        %dma_wait3A_41 = arith.constant 0 : i32
        %dma_wait3A_42 = tpu.memref_slice %arg4[%mul3A_19, %dma_wait3A_41] : memref<2560x128xi32, #tpu.memory_space<hbm>> -> memref<120x128xi32, #tpu.memory_space<hbm>>
        tpu.wait_dma2 semaphore(%run_scoped3A : memref<!tpu.dma_semaphore, #tpu.memory_space<semaphore_mem>>) src(%dma_wait3A_42 : memref<120x128xi32, #tpu.memory_space<hbm>>) dst(%dma_wait3A_40 : memref<120x128xi32, #tpu.memory_space<vmem>>)
        tpu.yield
      }) : () -> ()
      %scan3A = arith.constant 0 : i32
      %scan3A_20 = arith.constant 0 : i32
      %scan3A_21 = arith.constant 120 : i32
      %scan3A_22 = arith.addi %scan3A_20, %scan3A_21 : i32
      %scan3A_23 = arith.constant 1 : i32
      scf.for %scan3A_25 = %scan3A_20 to %scan3A_22 step %scan3A_23  : i32 {
        "tpu.region"() ({
          %run_scoped3A = tpu.sem_alloc : memref<!tpu.dma_semaphore, #tpu.memory_space<semaphore_mem>>
          %dma_start3A = arith.constant 0 : i32
          %dma_start3A_26 = tpu.memref_slice %arg10[%scan3A_25, %dma_start3A] : memref<120x128xi32, #tpu.memory_space<vmem>> -> memref<1x128xi32, #tpu.memory_space<vmem>>
          %dma_start3A_27 = tpu.memref_squeeze %dma_start3A_26 : memref<1x128xi32, #tpu.memory_space<vmem>> -> memref<128xi32, #tpu.memory_space<vmem>>
          %dma_start3A_28 = arith.constant 0 : i32
          %dma_start3A_29 = arith.constant 0 : i32
          %dma_start3A_30 = tpu.memref_slice %arg2[%dma_start3A_28, %dma_start3A_29] : memref<10000x128xf32, #tpu.memory_space<hbm>> -> memref<10000x128xf32, #tpu.memory_space<hbm>>
          tpu.enqueue_indirect_dma source(%dma_start3A_30 : memref<10000x128xf32, #tpu.memory_space<hbm>>) target(%arg12 : memref<128x128xf32, #tpu.memory_space<vmem>>) offsets(%dma_start3A_27 : memref<128xi32, #tpu.memory_space<vmem>>) semaphore(%run_scoped3A : memref<!tpu.dma_semaphore, #tpu.memory_space<semaphore_mem>>)
          %dma_wait3A = arith.constant 0 : i32
          %dma_wait3A_31 = tpu.memref_slice %arg10[%scan3A_25, %dma_wait3A] : memref<120x128xi32, #tpu.memory_space<vmem>> -> memref<1x128xi32, #tpu.memory_space<vmem>>
          %dma_wait3A_32 = tpu.memref_squeeze %dma_wait3A_31 : memref<1x128xi32, #tpu.memory_space<vmem>> -> memref<128xi32, #tpu.memory_space<vmem>>
          %dma_wait3A_33 = arith.constant 0 : i32
          %dma_wait3A_34 = arith.constant 0 : i32
          %dma_wait3A_35 = tpu.memref_slice %arg2[%dma_wait3A_33, %dma_wait3A_34] : memref<10000x128xf32, #tpu.memory_space<hbm>> -> memref<10000x128xf32, #tpu.memory_space<hbm>>
          tpu.wait_indirect_dma semaphore(%run_scoped3A : memref<!tpu.dma_semaphore, #tpu.memory_space<semaphore_mem>>) src(%dma_wait3A_35 : memref<10000x128xf32, #tpu.memory_space<hbm>>) dst(%arg12 : memref<128x128xf32, #tpu.memory_space<vmem>>)
          tpu.yield
        }) : () -> ()
        "tpu.region"() ({
          %run_scoped3A = tpu.sem_alloc : memref<!tpu.dma_semaphore, #tpu.memory_space<semaphore_mem>>
          %dma_start3A = arith.constant 0 : i32
          %dma_start3A_26 = tpu.memref_slice %arg11[%scan3A_25, %dma_start3A] : memref<120x128xi32, #tpu.memory_space<vmem>> -> memref<1x128xi32, #tpu.memory_space<vmem>>
          %dma_start3A_27 = tpu.memref_squeeze %dma_start3A_26 : memref<1x128xi32, #tpu.memory_space<vmem>> -> memref<128xi32, #tpu.memory_space<vmem>>
          %dma_start3A_28 = arith.constant 0 : i32
          %dma_start3A_29 = arith.constant 0 : i32
          %dma_start3A_30 = tpu.memref_slice %arg14[%dma_start3A_28, %dma_start3A_29] : memref<10240x128xf32, #tpu.memory_space<vmem_shared>> -> memref<10240x128xf32, #tpu.memory_space<vmem_shared>>
          tpu.enqueue_indirect_dma source(%arg12 : memref<128x128xf32, #tpu.memory_space<vmem>>) target(%dma_start3A_30 : memref<10240x128xf32, #tpu.memory_space<vmem_shared>>) offsets(%dma_start3A_27 : memref<128xi32, #tpu.memory_space<vmem>>) semaphore(%run_scoped3A : memref<!tpu.dma_semaphore, #tpu.memory_space<semaphore_mem>>) {add = true}
          %dma_wait3A = arith.constant 0 : i32
          %dma_wait3A_31 = tpu.memref_slice %arg11[%scan3A_25, %dma_wait3A] : memref<120x128xi32, #tpu.memory_space<vmem>> -> memref<1x128xi32, #tpu.memory_space<vmem>>
          %dma_wait3A_32 = tpu.memref_squeeze %dma_wait3A_31 : memref<1x128xi32, #tpu.memory_space<vmem>> -> memref<128xi32, #tpu.memory_space<vmem>>
          %dma_wait3A_33 = arith.constant 0 : i32
          %dma_wait3A_34 = arith.constant 0 : i32
          %dma_wait3A_35 = tpu.memref_slice %arg14[%dma_wait3A_33, %dma_wait3A_34] : memref<10240x128xf32, #tpu.memory_space<vmem_shared>> -> memref<10240x128xf32, #tpu.memory_space<vmem_shared>>
          tpu.wait_indirect_dma semaphore(%run_scoped3A : memref<!tpu.dma_semaphore, #tpu.memory_space<semaphore_mem>>) src(%arg12 : memref<128x128xf32, #tpu.memory_space<vmem>>) dst(%dma_wait3A_35 : memref<10240x128xf32, #tpu.memory_space<vmem_shared>>)
          tpu.yield
        }) : () -> ()
        "tpu.region"() ({
          %run_scoped3A = tpu.sem_alloc : memref<!tpu.dma_semaphore, #tpu.memory_space<semaphore_mem>>
          %dma_start3A = arith.constant 0 : i32
          %dma_start3A_26 = tpu.memref_slice %arg11[%scan3A_25, %dma_start3A] : memref<120x128xi32, #tpu.memory_space<vmem>> -> memref<1x128xi32, #tpu.memory_space<vmem>>
          %dma_start3A_27 = tpu.memref_squeeze %dma_start3A_26 : memref<1x128xi32, #tpu.memory_space<vmem>> -> memref<128xi32, #tpu.memory_space<vmem>>
          %dma_start3A_28 = arith.constant 0 : i32
          %dma_start3A_29 = tpu.memref_slice %arg15[%dma_start3A_28] : memref<10240xf32, #tpu.memory_space<vmem_shared>> -> memref<10240xf32, #tpu.memory_space<vmem_shared>>
          tpu.enqueue_indirect_dma source(%arg13 : memref<128xf32, #tpu.memory_space<vmem>>) target(%dma_start3A_29 : memref<10240xf32, #tpu.memory_space<vmem_shared>>) offsets(%dma_start3A_27 : memref<128xi32, #tpu.memory_space<vmem>>) semaphore(%run_scoped3A : memref<!tpu.dma_semaphore, #tpu.memory_space<semaphore_mem>>) {add = true}
          %dma_wait3A = arith.constant 0 : i32
          %dma_wait3A_30 = tpu.memref_slice %arg11[%scan3A_25, %dma_wait3A] : memref<120x128xi32, #tpu.memory_space<vmem>> -> memref<1x128xi32, #tpu.memory_space<vmem>>
          %dma_wait3A_31 = tpu.memref_squeeze %dma_wait3A_30 : memref<1x128xi32, #tpu.memory_space<vmem>> -> memref<128xi32, #tpu.memory_space<vmem>>
          %dma_wait3A_32 = arith.constant 0 : i32
          %dma_wait3A_33 = tpu.memref_slice %arg15[%dma_wait3A_32] : memref<10240xf32, #tpu.memory_space<vmem_shared>> -> memref<10240xf32, #tpu.memory_space<vmem_shared>>
          tpu.wait_indirect_dma semaphore(%run_scoped3A : memref<!tpu.dma_semaphore, #tpu.memory_space<semaphore_mem>>) src(%arg13 : memref<128xf32, #tpu.memory_space<vmem>>) dst(%dma_wait3A_33 : memref<10240xf32, #tpu.memory_space<vmem_shared>>)
          tpu.yield
        }) : () -> ()
      }
      %scan3A_24 = arith.constant 120 : i32
    } else {
    }
    %eq3A_12 = arith.constant 1 : i32
    %eq3A_13 = arith.cmpi eq, %arg0, %eq3A_12 : i32
    %convert_element_type3A_14 = arith.extui %eq3A_13 : i1 to i32
    %cond3A_15 = arith.constant 0 : i32
    %cond3A_16 = arith.cmpi ne, %convert_element_type3A_14, %cond3A_15 : i32
    scf.if %cond3A_16 {
      %mul3A_18 = arith.constant 40 : i32
      %mul3A_19 = arith.muli %arg1, %mul3A_18 : i32
      %add3A_20 = arith.constant 1920 : i32
      %add3A_21 = arith.addi %add3A_20, %mul3A_19 : i32
      "tpu.region"() ({
        %run_scoped3A = tpu.sem_alloc : memref<!tpu.dma_semaphore, #tpu.memory_space<semaphore_mem>>
        %dma_start3A = arith.constant 0 : i32
        %dma_start3A_27 = arith.constant 0 : i32
        %dma_start3A_28 = tpu.memref_slice %arg10[%dma_start3A, %dma_start3A_27] : memref<120x128xi32, #tpu.memory_space<vmem>> -> memref<40x128xi32, #tpu.memory_space<vmem>>
        %dma_start3A_29 = arith.constant 0 : i32
        %dma_start3A_30 = tpu.memref_slice %arg3[%add3A_21, %dma_start3A_29] : memref<2560x128xi32, #tpu.memory_space<hbm>> -> memref<40x128xi32, #tpu.memory_space<hbm>>
        %dma_start3A_31 = arith.constant 0 : i32
        %dma_start3A_32 = arith.constant 0 : i32
        %dma_start3A_33 = tpu.memref_slice %arg10[%dma_start3A_31, %dma_start3A_32] : memref<120x128xi32, #tpu.memory_space<vmem>> -> memref<40x128xi32, #tpu.memory_space<vmem>>
        %dma_start3A_34 = arith.constant 0 : i32
        %dma_start3A_35 = tpu.memref_slice %arg3[%add3A_21, %dma_start3A_34] : memref<2560x128xi32, #tpu.memory_space<hbm>> -> memref<40x128xi32, #tpu.memory_space<hbm>>
        tpu.enqueue_dma source(%dma_start3A_35 : memref<40x128xi32, #tpu.memory_space<hbm>>) target(%dma_start3A_33 : memref<40x128xi32, #tpu.memory_space<vmem>>) target_semaphore(%run_scoped3A : memref<!tpu.dma_semaphore, #tpu.memory_space<semaphore_mem>>)
        %dma_wait3A = arith.constant 0 : i32
        %dma_wait3A_36 = arith.constant 0 : i32
        %dma_wait3A_37 = tpu.memref_slice %arg10[%dma_wait3A, %dma_wait3A_36] : memref<120x128xi32, #tpu.memory_space<vmem>> -> memref<40x128xi32, #tpu.memory_space<vmem>>
        %dma_wait3A_38 = arith.constant 0 : i32
        %dma_wait3A_39 = tpu.memref_slice %arg3[%add3A_21, %dma_wait3A_38] : memref<2560x128xi32, #tpu.memory_space<hbm>> -> memref<40x128xi32, #tpu.memory_space<hbm>>
        %dma_wait3A_40 = arith.constant 0 : i32
        %dma_wait3A_41 = arith.constant 0 : i32
        %dma_wait3A_42 = tpu.memref_slice %arg10[%dma_wait3A_40, %dma_wait3A_41] : memref<120x128xi32, #tpu.memory_space<vmem>> -> memref<40x128xi32, #tpu.memory_space<vmem>>
        %dma_wait3A_43 = arith.constant 0 : i32
        %dma_wait3A_44 = tpu.memref_slice %arg3[%add3A_21, %dma_wait3A_43] : memref<2560x128xi32, #tpu.memory_space<hbm>> -> memref<40x128xi32, #tpu.memory_space<hbm>>
        tpu.wait_dma2 semaphore(%run_scoped3A : memref<!tpu.dma_semaphore, #tpu.memory_space<semaphore_mem>>) src(%dma_wait3A_44 : memref<40x128xi32, #tpu.memory_space<hbm>>) dst(%dma_wait3A_42 : memref<40x128xi32, #tpu.memory_space<vmem>>)
        tpu.yield
      }) : () -> ()
      "tpu.region"() ({
        %run_scoped3A = tpu.sem_alloc : memref<!tpu.dma_semaphore, #tpu.memory_space<semaphore_mem>>
        %dma_start3A = arith.constant 0 : i32
        %dma_start3A_27 = arith.constant 0 : i32
        %dma_start3A_28 = tpu.memref_slice %arg11[%dma_start3A, %dma_start3A_27] : memref<120x128xi32, #tpu.memory_space<vmem>> -> memref<40x128xi32, #tpu.memory_space<vmem>>
        %dma_start3A_29 = arith.constant 0 : i32
        %dma_start3A_30 = tpu.memref_slice %arg4[%add3A_21, %dma_start3A_29] : memref<2560x128xi32, #tpu.memory_space<hbm>> -> memref<40x128xi32, #tpu.memory_space<hbm>>
        %dma_start3A_31 = arith.constant 0 : i32
        %dma_start3A_32 = arith.constant 0 : i32
        %dma_start3A_33 = tpu.memref_slice %arg11[%dma_start3A_31, %dma_start3A_32] : memref<120x128xi32, #tpu.memory_space<vmem>> -> memref<40x128xi32, #tpu.memory_space<vmem>>
        %dma_start3A_34 = arith.constant 0 : i32
        %dma_start3A_35 = tpu.memref_slice %arg4[%add3A_21, %dma_start3A_34] : memref<2560x128xi32, #tpu.memory_space<hbm>> -> memref<40x128xi32, #tpu.memory_space<hbm>>
        tpu.enqueue_dma source(%dma_start3A_35 : memref<40x128xi32, #tpu.memory_space<hbm>>) target(%dma_start3A_33 : memref<40x128xi32, #tpu.memory_space<vmem>>) target_semaphore(%run_scoped3A : memref<!tpu.dma_semaphore, #tpu.memory_space<semaphore_mem>>)
        %dma_wait3A = arith.constant 0 : i32
        %dma_wait3A_36 = arith.constant 0 : i32
        %dma_wait3A_37 = tpu.memref_slice %arg11[%dma_wait3A, %dma_wait3A_36] : memref<120x128xi32, #tpu.memory_space<vmem>> -> memref<40x128xi32, #tpu.memory_space<vmem>>
        %dma_wait3A_38 = arith.constant 0 : i32
        %dma_wait3A_39 = tpu.memref_slice %arg4[%add3A_21, %dma_wait3A_38] : memref<2560x128xi32, #tpu.memory_space<hbm>> -> memref<40x128xi32, #tpu.memory_space<hbm>>
        %dma_wait3A_40 = arith.constant 0 : i32
        %dma_wait3A_41 = arith.constant 0 : i32
        %dma_wait3A_42 = tpu.memref_slice %arg11[%dma_wait3A_40, %dma_wait3A_41] : memref<120x128xi32, #tpu.memory_space<vmem>> -> memref<40x128xi32, #tpu.memory_space<vmem>>
        %dma_wait3A_43 = arith.constant 0 : i32
        %dma_wait3A_44 = tpu.memref_slice %arg4[%add3A_21, %dma_wait3A_43] : memref<2560x128xi32, #tpu.memory_space<hbm>> -> memref<40x128xi32, #tpu.memory_space<hbm>>
        tpu.wait_dma2 semaphore(%run_scoped3A : memref<!tpu.dma_semaphore, #tpu.memory_space<semaphore_mem>>) src(%dma_wait3A_44 : memref<40x128xi32, #tpu.memory_space<hbm>>) dst(%dma_wait3A_42 : memref<40x128xi32, #tpu.memory_space<vmem>>)
        tpu.yield
      }) : () -> ()
      %scan3A = arith.constant 0 : i32
      %scan3A_22 = arith.constant 0 : i32
      %scan3A_23 = arith.constant 40 : i32
      %scan3A_24 = arith.addi %scan3A_22, %scan3A_23 : i32
      %scan3A_25 = arith.constant 1 : i32
      scf.for %scan3A_27 = %scan3A_22 to %scan3A_24 step %scan3A_25  : i32 {
        "tpu.region"() ({
          %run_scoped3A = tpu.sem_alloc : memref<!tpu.dma_semaphore, #tpu.memory_space<semaphore_mem>>
          %dma_start3A = arith.constant 0 : i32
          %dma_start3A_28 = tpu.memref_slice %arg10[%scan3A_27, %dma_start3A] : memref<120x128xi32, #tpu.memory_space<vmem>> -> memref<1x128xi32, #tpu.memory_space<vmem>>
          %dma_start3A_29 = tpu.memref_squeeze %dma_start3A_28 : memref<1x128xi32, #tpu.memory_space<vmem>> -> memref<128xi32, #tpu.memory_space<vmem>>
          %dma_start3A_30 = arith.constant 0 : i32
          %dma_start3A_31 = arith.constant 0 : i32
          %dma_start3A_32 = tpu.memref_slice %arg2[%dma_start3A_30, %dma_start3A_31] : memref<10000x128xf32, #tpu.memory_space<hbm>> -> memref<10000x128xf32, #tpu.memory_space<hbm>>
          tpu.enqueue_indirect_dma source(%dma_start3A_32 : memref<10000x128xf32, #tpu.memory_space<hbm>>) target(%arg12 : memref<128x128xf32, #tpu.memory_space<vmem>>) offsets(%dma_start3A_29 : memref<128xi32, #tpu.memory_space<vmem>>) semaphore(%run_scoped3A : memref<!tpu.dma_semaphore, #tpu.memory_space<semaphore_mem>>)
          %dma_wait3A = arith.constant 0 : i32
          %dma_wait3A_33 = tpu.memref_slice %arg10[%scan3A_27, %dma_wait3A] : memref<120x128xi32, #tpu.memory_space<vmem>> -> memref<1x128xi32, #tpu.memory_space<vmem>>
          %dma_wait3A_34 = tpu.memref_squeeze %dma_wait3A_33 : memref<1x128xi32, #tpu.memory_space<vmem>> -> memref<128xi32, #tpu.memory_space<vmem>>
          %dma_wait3A_35 = arith.constant 0 : i32
          %dma_wait3A_36 = arith.constant 0 : i32
          %dma_wait3A_37 = tpu.memref_slice %arg2[%dma_wait3A_35, %dma_wait3A_36] : memref<10000x128xf32, #tpu.memory_space<hbm>> -> memref<10000x128xf32, #tpu.memory_space<hbm>>
          tpu.wait_indirect_dma semaphore(%run_scoped3A : memref<!tpu.dma_semaphore, #tpu.memory_space<semaphore_mem>>) src(%dma_wait3A_37 : memref<10000x128xf32, #tpu.memory_space<hbm>>) dst(%arg12 : memref<128x128xf32, #tpu.memory_space<vmem>>)
          tpu.yield
        }) : () -> ()
        "tpu.region"() ({
          %run_scoped3A = tpu.sem_alloc : memref<!tpu.dma_semaphore, #tpu.memory_space<semaphore_mem>>
          %dma_start3A = arith.constant 0 : i32
          %dma_start3A_28 = tpu.memref_slice %arg11[%scan3A_27, %dma_start3A] : memref<120x128xi32, #tpu.memory_space<vmem>> -> memref<1x128xi32, #tpu.memory_space<vmem>>
          %dma_start3A_29 = tpu.memref_squeeze %dma_start3A_28 : memref<1x128xi32, #tpu.memory_space<vmem>> -> memref<128xi32, #tpu.memory_space<vmem>>
          %dma_start3A_30 = arith.constant 0 : i32
          %dma_start3A_31 = arith.constant 0 : i32
          %dma_start3A_32 = tpu.memref_slice %arg14[%dma_start3A_30, %dma_start3A_31] : memref<10240x128xf32, #tpu.memory_space<vmem_shared>> -> memref<10240x128xf32, #tpu.memory_space<vmem_shared>>
          tpu.enqueue_indirect_dma source(%arg12 : memref<128x128xf32, #tpu.memory_space<vmem>>) target(%dma_start3A_32 : memref<10240x128xf32, #tpu.memory_space<vmem_shared>>) offsets(%dma_start3A_29 : memref<128xi32, #tpu.memory_space<vmem>>) semaphore(%run_scoped3A : memref<!tpu.dma_semaphore, #tpu.memory_space<semaphore_mem>>) {add = true}
          %dma_wait3A = arith.constant 0 : i32
          %dma_wait3A_33 = tpu.memref_slice %arg11[%scan3A_27, %dma_wait3A] : memref<120x128xi32, #tpu.memory_space<vmem>> -> memref<1x128xi32, #tpu.memory_space<vmem>>
          %dma_wait3A_34 = tpu.memref_squeeze %dma_wait3A_33 : memref<1x128xi32, #tpu.memory_space<vmem>> -> memref<128xi32, #tpu.memory_space<vmem>>
          %dma_wait3A_35 = arith.constant 0 : i32
          %dma_wait3A_36 = arith.constant 0 : i32
          %dma_wait3A_37 = tpu.memref_slice %arg14[%dma_wait3A_35, %dma_wait3A_36] : memref<10240x128xf32, #tpu.memory_space<vmem_shared>> -> memref<10240x128xf32, #tpu.memory_space<vmem_shared>>
          tpu.wait_indirect_dma semaphore(%run_scoped3A : memref<!tpu.dma_semaphore, #tpu.memory_space<semaphore_mem>>) src(%arg12 : memref<128x128xf32, #tpu.memory_space<vmem>>) dst(%dma_wait3A_37 : memref<10240x128xf32, #tpu.memory_space<vmem_shared>>)
          tpu.yield
        }) : () -> ()
        "tpu.region"() ({
          %run_scoped3A = tpu.sem_alloc : memref<!tpu.dma_semaphore, #tpu.memory_space<semaphore_mem>>
          %dma_start3A = arith.constant 0 : i32
          %dma_start3A_28 = tpu.memref_slice %arg11[%scan3A_27, %dma_start3A] : memref<120x128xi32, #tpu.memory_space<vmem>> -> memref<1x128xi32, #tpu.memory_space<vmem>>
          %dma_start3A_29 = tpu.memref_squeeze %dma_start3A_28 : memref<1x128xi32, #tpu.memory_space<vmem>> -> memref<128xi32, #tpu.memory_space<vmem>>
          %dma_start3A_30 = arith.constant 0 : i32
          %dma_start3A_31 = tpu.memref_slice %arg15[%dma_start3A_30] : memref<10240xf32, #tpu.memory_space<vmem_shared>> -> memref<10240xf32, #tpu.memory_space<vmem_shared>>
          tpu.enqueue_indirect_dma source(%arg13 : memref<128xf32, #tpu.memory_space<vmem>>) target(%dma_start3A_31 : memref<10240xf32, #tpu.memory_space<vmem_shared>>) offsets(%dma_start3A_29 : memref<128xi32, #tpu.memory_space<vmem>>) semaphore(%run_scoped3A : memref<!tpu.dma_semaphore, #tpu.memory_space<semaphore_mem>>) {add = true}
          %dma_wait3A = arith.constant 0 : i32
          %dma_wait3A_32 = tpu.memref_slice %arg11[%scan3A_27, %dma_wait3A] : memref<120x128xi32, #tpu.memory_space<vmem>> -> memref<1x128xi32, #tpu.memory_space<vmem>>
          %dma_wait3A_33 = tpu.memref_squeeze %dma_wait3A_32 : memref<1x128xi32, #tpu.memory_space<vmem>> -> memref<128xi32, #tpu.memory_space<vmem>>
          %dma_wait3A_34 = arith.constant 0 : i32
          %dma_wait3A_35 = tpu.memref_slice %arg15[%dma_wait3A_34] : memref<10240xf32, #tpu.memory_space<vmem_shared>> -> memref<10240xf32, #tpu.memory_space<vmem_shared>>
          tpu.wait_indirect_dma semaphore(%run_scoped3A : memref<!tpu.dma_semaphore, #tpu.memory_space<semaphore_mem>>) src(%arg13 : memref<128xf32, #tpu.memory_space<vmem>>) dst(%dma_wait3A_35 : memref<10240xf32, #tpu.memory_space<vmem_shared>>)
          tpu.yield
        }) : () -> ()
      }
      %scan3A_26 = arith.constant 40 : i32
    } else {
    }
    %barrier3A_17 = arith.constant 0 : index
    tpu.barrier barrier_id(%barrier3A_17)
    "tpu.region"() ({
      %run_scoped3A = tpu.sem_alloc : memref<!tpu.dma_semaphore, #tpu.memory_space<semaphore_mem>>
      %dma_start3A = arith.constant 0 : i32
      %dma_start3A_18 = tpu.memref_slice %arg8[%arg0, %mul3A_0, %dma_start3A] : memref<2x10240x128xf32, #tpu.memory_space<hbm>> -> memref<1x640x128xf32, #tpu.memory_space<hbm>>
      %dma_start3A_19 = tpu.memref_squeeze %dma_start3A_18 : memref<1x640x128xf32, #tpu.memory_space<hbm>> -> memref<640x128xf32, #tpu.memory_space<hbm>>
      %dma_start3A_20 = arith.constant 0 : i32
      %dma_start3A_21 = tpu.memref_slice %arg14[%mul3A_0, %dma_start3A_20] : memref<10240x128xf32, #tpu.memory_space<vmem_shared>> -> memref<640x128xf32, #tpu.memory_space<vmem_shared>>
      tpu.enqueue_dma source(%dma_start3A_21 : memref<640x128xf32, #tpu.memory_space<vmem_shared>>) target(%dma_start3A_19 : memref<640x128xf32, #tpu.memory_space<hbm>>) target_semaphore(%run_scoped3A : memref<!tpu.dma_semaphore, #tpu.memory_space<semaphore_mem>>)
      %dma_wait3A = arith.constant 0 : i32
      %dma_wait3A_22 = tpu.memref_slice %arg8[%arg0, %mul3A_0, %dma_wait3A] : memref<2x10240x128xf32, #tpu.memory_space<hbm>> -> memref<1x640x128xf32, #tpu.memory_space<hbm>>
      %dma_wait3A_23 = tpu.memref_squeeze %dma_wait3A_22 : memref<1x640x128xf32, #tpu.memory_space<hbm>> -> memref<640x128xf32, #tpu.memory_space<hbm>>
      %dma_wait3A_24 = arith.constant 0 : i32
      %dma_wait3A_25 = tpu.memref_slice %arg14[%mul3A_0, %dma_wait3A_24] : memref<10240x128xf32, #tpu.memory_space<vmem_shared>> -> memref<640x128xf32, #tpu.memory_space<vmem_shared>>
      tpu.wait_dma2 semaphore(%run_scoped3A : memref<!tpu.dma_semaphore, #tpu.memory_space<semaphore_mem>>) src(%dma_wait3A_25 : memref<640x128xf32, #tpu.memory_space<vmem_shared>>) dst(%dma_wait3A_23 : memref<640x128xf32, #tpu.memory_space<hbm>>)
      tpu.yield
    }) : () -> ()
    "tpu.region"() ({
      %run_scoped3A = tpu.sem_alloc : memref<!tpu.dma_semaphore, #tpu.memory_space<semaphore_mem>>
      %dma_start3A = tpu.memref_slice %arg9[%arg0, %mul3A_0] : memref<2x10240xf32, #tpu.memory_space<hbm>> -> memref<1x640xf32, #tpu.memory_space<hbm>>
      %dma_start3A_18 = tpu.memref_squeeze %dma_start3A : memref<1x640xf32, #tpu.memory_space<hbm>> -> memref<640xf32, #tpu.memory_space<hbm>>
      %dma_start3A_19 = tpu.memref_slice %arg15[%mul3A_0] : memref<10240xf32, #tpu.memory_space<vmem_shared>> -> memref<640xf32, #tpu.memory_space<vmem_shared>>
      tpu.enqueue_dma source(%dma_start3A_19 : memref<640xf32, #tpu.memory_space<vmem_shared>>) target(%dma_start3A_18 : memref<640xf32, #tpu.memory_space<hbm>>) target_semaphore(%run_scoped3A : memref<!tpu.dma_semaphore, #tpu.memory_space<semaphore_mem>>)
      %dma_wait3A = tpu.memref_slice %arg9[%arg0, %mul3A_0] : memref<2x10240xf32, #tpu.memory_space<hbm>> -> memref<1x640xf32, #tpu.memory_space<hbm>>
      %dma_wait3A_20 = tpu.memref_squeeze %dma_wait3A : memref<1x640xf32, #tpu.memory_space<hbm>> -> memref<640xf32, #tpu.memory_space<hbm>>
      %dma_wait3A_21 = tpu.memref_slice %arg15[%mul3A_0] : memref<10240xf32, #tpu.memory_space<vmem_shared>> -> memref<640xf32, #tpu.memory_space<vmem_shared>>
      tpu.wait_dma2 semaphore(%run_scoped3A : memref<!tpu.dma_semaphore, #tpu.memory_space<semaphore_mem>>) src(%dma_wait3A_21 : memref<640xf32, #tpu.memory_space<vmem_shared>>) dst(%dma_wait3A_20 : memref<640xf32, #tpu.memory_space<hbm>>)
      tpu.yield
    }) : () -> ()
    return
  }
}

module attributes {stable_mosaic.version = 14 : i64} {
  func.func @_tc_body(%arg0: memref<2x10240x128xf32, #tpu.memory_space<vmem>>, %arg1: memref<2x10240xf32, #tpu.memory_space<vmem>>, %arg2: memref<10000x128xf32, #tpu.memory_space<vmem>>, %arg3: memref<10000x1xi32, #tpu.memory_space<vmem>>, %arg4: memref<128x128xf32, #tpu.memory_space<vmem>>, %arg5: memref<1x128xf32, #tpu.memory_space<vmem>>, %arg6: memref<1x128xf32, #tpu.memory_space<vmem>>, %arg7: memref<1x128xf32, #tpu.memory_space<vmem>>, %arg8: memref<128x10xf32, #tpu.memory_space<vmem>>, %arg9: memref<1x10xf32, #tpu.memory_space<vmem>>, %arg10: memref<64x10xf32, #tpu.memory_space<vmem>>) attributes {dimension_semantics = [], scalar_prefetch = 0 : i64, scratch_operands = 0 : i64, tpu.core_type = #tpu.core_type<tc>} {
    %get3A = arith.constant 0 : index
    %get3A_0 = arith.constant 0 : index
    %get3A_1 = arith.constant 0 : index
    %get3A_2 = vector.load %arg0[%get3A, %get3A_0, %get3A_1] : memref<2x10240x128xf32, #tpu.memory_space<vmem>>, vector<1x10240x128xf32>
    %get3A_3 = vector.shape_cast %get3A_2 : vector<1x10240x128xf32> to vector<10240x128xf32>
    %get3A_4 = arith.constant 1 : index
    %get3A_5 = arith.constant 0 : index
    %get3A_6 = arith.constant 0 : index
    %get3A_7 = vector.load %arg0[%get3A_4, %get3A_5, %get3A_6] : memref<2x10240x128xf32, #tpu.memory_space<vmem>>, vector<1x10240x128xf32>
    %get3A_8 = vector.shape_cast %get3A_7 : vector<1x10240x128xf32> to vector<10240x128xf32>
    %add3A = arith.addf %get3A_3, %get3A_8 : vector<10240x128xf32>
    %get3A_9 = arith.constant 0 : index
    %get3A_10 = arith.constant 0 : index
    %get3A_11 = vector.load %arg1[%get3A_9, %get3A_10] : memref<2x10240xf32, #tpu.memory_space<vmem>>, vector<1x10240xf32>
    %get3A_12 = vector.shape_cast %get3A_11 : vector<1x10240xf32> to vector<10240xf32>
    %get3A_13 = arith.constant 1 : index
    %get3A_14 = arith.constant 0 : index
    %get3A_15 = vector.load %arg1[%get3A_13, %get3A_14] : memref<2x10240xf32, #tpu.memory_space<vmem>>, vector<1x10240xf32>
    %get3A_16 = vector.shape_cast %get3A_15 : vector<1x10240xf32> to vector<10240xf32>
    %add3A_17 = arith.addf %get3A_12, %get3A_16 : vector<10240xf32>
    %max3A = arith.constant 1.000000e+00 : f32
    %max3A_18 = vector.broadcast %max3A : f32 to vector<10240xf32>
    %max3A_19 = arith.maximumf %add3A_17, %max3A_18 : vector<10240xf32>
    %div3A = arith.constant 1.000000e+00 : f32
    %div3A_20 = vector.broadcast %div3A : f32 to vector<10240xf32>
    %div3A_21 = arith.divf %div3A_20, %max3A_19 : vector<10240xf32>
    %reshape3A = vector.shape_cast %div3A_21 : vector<10240xf32> to vector<10240x1xf32>
    %mul3A = vector.broadcast %reshape3A : vector<10240x1xf32> to vector<10240x128xf32>
    %mul3A_22 = arith.mulf %add3A, %mul3A : vector<10240x128xf32>
    %slice3A = vector.extract_strided_slice %mul3A_22 {offsets = [0, 0], sizes = [10000, 128], strides = [1, 1]} : vector<10240x128xf32> to vector<10000x128xf32>
    %get3A_23 = arith.constant 0 : index
    %get3A_24 = arith.constant 0 : index
    %get3A_25 = vector.load %arg4[%get3A_23, %get3A_24] : memref<128x128xf32, #tpu.memory_space<vmem>>, vector<128x128xf32>
    %dot_general3A = arith.constant dense<0.000000e+00> : vector<10000x128xf32>
    %dot_general3A_26 = tpu.matmul %slice3A, %get3A_25, %dot_general3A {dimension_numbers = #tpu.dot_dimension_numbers<[1], [0], [0], [1], [0, 0, 1, 1], [], []>, transpose_lhs_hint = false} : vector<10000x128xf32>, vector<128x128xf32>, vector<10000x128xf32> -> vector<10000x128xf32>
    %get3A_27 = arith.constant 0 : index
    %get3A_28 = arith.constant 0 : index
    %get3A_29 = vector.load %arg5[%get3A_27, %get3A_28] : memref<1x128xf32, #tpu.memory_space<vmem>>, vector<1x128xf32>
    %add3A_30 = vector.broadcast %get3A_29 : vector<1x128xf32> to vector<10000x128xf32>
    %add3A_31 = arith.addf %dot_general3A_26, %add3A_30 : vector<10000x128xf32>
    %reduce_sum3A = arith.constant dense<0.000000e+00> : vector<128xf32>
    %reduce_sum3A_32 = vector.multi_reduction <add>, %add3A_31, %reduce_sum3A [0] : vector<10000x128xf32> to vector<128xf32>
    %broadcast_in_dim3A = vector.shape_cast %reduce_sum3A_32 : vector<128xf32> to vector<1x128xf32>
    %div3A_33 = arith.constant 1.000000e+04 : f32
    %div3A_34 = vector.broadcast %div3A_33 : f32 to vector<1x128xf32>
    %div3A_35 = arith.divf %broadcast_in_dim3A, %div3A_34 : vector<1x128xf32>
    %sub3A = vector.broadcast %div3A_35 : vector<1x128xf32> to vector<10000x128xf32>
    %sub3A_36 = arith.subf %add3A_31, %sub3A : vector<10000x128xf32>
    %integer_pow3A = arith.mulf %sub3A_36, %sub3A_36 : vector<10000x128xf32>
    %reduce_sum3A_37 = arith.constant dense<0.000000e+00> : vector<128xf32>
    %reduce_sum3A_38 = vector.multi_reduction <add>, %integer_pow3A, %reduce_sum3A_37 [0] : vector<10000x128xf32> to vector<128xf32>
    %broadcast_in_dim3A_39 = vector.shape_cast %reduce_sum3A_38 : vector<128xf32> to vector<1x128xf32>
    %div3A_40 = arith.constant 1.000000e+04 : f32
    %div3A_41 = vector.broadcast %div3A_40 : f32 to vector<1x128xf32>
    %div3A_42 = arith.divf %broadcast_in_dim3A_39, %div3A_41 : vector<1x128xf32>
    %sub3A_43 = vector.broadcast %div3A_35 : vector<1x128xf32> to vector<10000x128xf32>
    %sub3A_44 = arith.subf %add3A_31, %sub3A_43 : vector<10000x128xf32>
    %add3A_45 = arith.constant 9.99999974E-6 : f32
    %add3A_46 = vector.broadcast %add3A_45 : f32 to vector<1x128xf32>
    %add3A_47 = arith.addf %div3A_42, %add3A_46 : vector<1x128xf32>
    %sqrt3A = math.sqrt %add3A_47 : vector<1x128xf32>
    %div3A_48 = vector.broadcast %sqrt3A : vector<1x128xf32> to vector<10000x128xf32>
    %div3A_49 = arith.divf %sub3A_44, %div3A_48 : vector<10000x128xf32>
    %get3A_50 = arith.constant 0 : index
    %get3A_51 = arith.constant 0 : index
    %get3A_52 = vector.load %arg6[%get3A_50, %get3A_51] : memref<1x128xf32, #tpu.memory_space<vmem>>, vector<1x128xf32>
    %mul3A_53 = vector.broadcast %get3A_52 : vector<1x128xf32> to vector<10000x128xf32>
    %mul3A_54 = arith.mulf %div3A_49, %mul3A_53 : vector<10000x128xf32>
    %get3A_55 = arith.constant 0 : index
    %get3A_56 = arith.constant 0 : index
    %get3A_57 = vector.load %arg7[%get3A_55, %get3A_56] : memref<1x128xf32, #tpu.memory_space<vmem>>, vector<1x128xf32>
    %add3A_58 = vector.broadcast %get3A_57 : vector<1x128xf32> to vector<10000x128xf32>
    %add3A_59 = arith.addf %mul3A_54, %add3A_58 : vector<10000x128xf32>
    %get3A_60 = arith.constant 0 : index
    %get3A_61 = arith.constant 0 : index
    %get3A_62 = vector.load %arg2[%get3A_60, %get3A_61] : memref<10000x128xf32, #tpu.memory_space<vmem>>, vector<10000x128xf32>
    %add3A_63 = arith.addf %add3A_59, %get3A_62 : vector<10000x128xf32>
    %get3A_64 = arith.constant 0 : index
    %get3A_65 = arith.constant 0 : index
    %get3A_66 = vector.load %arg3[%get3A_64, %get3A_65] : memref<10000x1xi32, #tpu.memory_space<vmem>>, vector<10000x1xi32>
    %iota3A = tpu.iota {dimensions = array<i32: 1>} : vector<10000x64xi32>
    %eq3A = vector.broadcast %get3A_66 : vector<10000x1xi32> to vector<10000x64xi32>
    %eq3A_67 = arith.cmpi eq, %eq3A, %iota3A : vector<10000x64xi32>
    %convert_element_type3A = arith.extui %eq3A_67 : vector<10000x64xi1> to vector<10000x64xi32>
    %convert_element_type3A_68 = arith.sitofp %convert_element_type3A : vector<10000x64xi32> to vector<10000x64xf32>
    %dot_general3A_69 = arith.constant dense<0.000000e+00> : vector<64x128xf32>
    %dot_general3A_70 = tpu.matmul %convert_element_type3A_68, %add3A_63, %dot_general3A_69 {dimension_numbers = #tpu.dot_dimension_numbers<[0], [0], [1], [1], [0, 1, 1, 1], [], []>, transpose_lhs_hint = false} : vector<10000x64xf32>, vector<10000x128xf32>, vector<64x128xf32> -> vector<64x128xf32>
    %broadcast_in_dim3A_71 = arith.constant 1.000000e+00 : f32
    %broadcast_in_dim3A_72 = vector.broadcast %broadcast_in_dim3A_71 : f32 to vector<10000x1xf32>
    %dot_general3A_73 = arith.constant dense<0.000000e+00> : vector<64x1xf32>
    %dot_general3A_74 = tpu.matmul %convert_element_type3A_68, %broadcast_in_dim3A_72, %dot_general3A_73 {dimension_numbers = #tpu.dot_dimension_numbers<[0], [0], [1], [1], [0, 1, 1, 1], [], []>, transpose_lhs_hint = false} : vector<10000x64xf32>, vector<10000x1xf32>, vector<64x1xf32> -> vector<64x1xf32>
    %max3A_75 = arith.constant 1.000000e+00 : f32
    %max3A_76 = vector.broadcast %max3A_75 : f32 to vector<64x1xf32>
    %max3A_77 = arith.maximumf %dot_general3A_74, %max3A_76 : vector<64x1xf32>
    %div3A_78 = vector.broadcast %max3A_77 : vector<64x1xf32> to vector<64x128xf32>
    %div3A_79 = arith.divf %dot_general3A_70, %div3A_78 : vector<64x128xf32>
    %get3A_80 = arith.constant 0 : index
    %get3A_81 = arith.constant 0 : index
    %get3A_82 = vector.load %arg8[%get3A_80, %get3A_81] : memref<128x10xf32, #tpu.memory_space<vmem>>, vector<128x10xf32>
    %dot_general3A_83 = arith.constant dense<0.000000e+00> : vector<64x10xf32>
    %dot_general3A_84 = tpu.matmul %div3A_79, %get3A_82, %dot_general3A_83 {dimension_numbers = #tpu.dot_dimension_numbers<[1], [0], [0], [1], [0, 0, 1, 1], [], []>, transpose_lhs_hint = false} : vector<64x128xf32>, vector<128x10xf32>, vector<64x10xf32> -> vector<64x10xf32>
    %get3A_85 = arith.constant 0 : index
    %get3A_86 = arith.constant 0 : index
    %get3A_87 = vector.load %arg9[%get3A_85, %get3A_86] : memref<1x10xf32, #tpu.memory_space<vmem>>, vector<1x10xf32>
    %add3A_88 = vector.broadcast %get3A_87 : vector<1x10xf32> to vector<64x10xf32>
    %add3A_89 = arith.addf %dot_general3A_84, %add3A_88 : vector<64x10xf32>
    %swap3A = arith.constant 0 : index
    %swap3A_90 = arith.constant 0 : index
    %swap3A_91 = vector.load %arg10[%swap3A, %swap3A_90] : memref<64x10xf32, #tpu.memory_space<vmem>>, vector<64x10xf32>
    tpu.vector_store %arg10[%swap3A, %swap3A_90], %add3A_89 {strides = array<i32>} : memref<64x10xf32, #tpu.memory_space<vmem>>, vector<64x10xf32>,
    return
  }
}

</mosaic_0001>

<sc_bundles>
// kernel: kernel.4.cloned.1.call-start
scs
__scs_entry_jumppad:
0x0: {  	(pc) =	sbr.rel $0x88, $3  }
0x1: {  	(tag) =	ssettag $0x0;
	lr =	simm.s32 $0x1  }
0x2: {  	[smem:$0x3F98] =	sst lr;
	_ =	strace $0xD0000000  }
0x3: {  	_ = 	snop  }
0x4: {  	_ = 	snop  }
0x5: {  	_ = 	snop  }
0x6: {  	_ = 	snop  }
0x7: {  	_ = 	snop  }
__scs_overlays_trampoline_lowered:
0x8: {  	[smem:$0x3FA7] =	sst s0  }
0x9: {  	[smem:$0x3FA8] =	sst s1  }
0xa: {  	[smem:$0x3FA9] =	sst s2  }
0xb: {  	[smem:$0x3FAA] =	sst s3  }
0xc: {  	[smem:$0x3FAB] =	sst s4  }
0xd: {  	[smem:$0x3FAC] =	sst s5  }
0xe: {  	[smem:$0x3FAD] =	sst s6  }
0xf: {  	[smem:$0x3FAE] =	sst s7  }
0x10: {  	[smem:$0x3FAF] =	sst s8  }
0x11: {  	[smem:$0x3FB0] =	sst s9;
	s0 =	simm.s32 @!p0 $0x0  }
0x12: {  	s1 =	sld [smem:$0x3F96];
	s0 =	simm.s32 @p0 $0x1  }
0x13: {  	[smem:$0x3FB1] =	sst s0;
	s0 =	simm.s32 @!p1 $0x0  }
0x14: {  	s2 =	sld [smem:$0x3F95];
	s0 =	simm.s32 @p1 $0x1  }
0x15: {  	[smem:$0x3FB2] =	sst s0;
	s0 =	simm.s32 @!p2 $0x0  }
0x16: {  	s3 =	sld [smem:$0x3FDB];
	s0 =	simm.s32 @p2 $0x1  }
0x17: {  	s4 =	simm.s32 $0x1BF5;
	[smem:$0x3FB4] =	sst s0  }
0x18: {  	s0 =	sld [smem:$0x3F97];
	_ =	swait.ge [sflag:s4], $0x0  }
0x19: {  	s7 =	sld [smem:$0x3F98]  }
0x1a: {  	s8 =	sadd.s32 $0xFFFFE003, lr  }
0x1b: {  	s9 =	sadd.s32 $0xFFFFFEF7, lr;
	s5 =	simm.s32 $0xFFFFFFFF;
	p2 =	slt.u32 s8, $0xFFFFF086  }
0x1c: {  	p1 =	slt.u32 s9, $0xF7A;
	s5 =	simm.s32 @!p2 $0x0  }
0x1d: {  	s5 =	simm.s32 @p1 $0x1;
	p0 =	seq.s32 s7, s2  }
0x1e: {  	s7 =	smul.u32 @!p0 $0xF7A, s2;
	p2 =	seq.s32 @!p0 s5, $0x0  }
0x1f: {  	s9 =	smul.u32 $0xF7A, s1;
	s8 =	simm.s32 @!p0 $0x1BF5;
	p2 =	por !p2, p0  }
0x20: {  	[sflag:s8] =	ssyncset.s32 @!p0 $0xFFFFF086;
	s6 =	sadd.s32 @!p0 s3, s7;
	s7 =	simm.s32 @!p0 $0x108  }
0x21: {  	s3 =	sadd.s32 s3, s9;
	s6 =	sadd.s32 @!p0 $0x88, s6;
	s7 =	simm.s32 @p2 $0x1082  }
0x22: {  	[simem:s7], [sflag:s8] =	dma.local @!p0 [hbm:s6], $0xF7A  }
0x23: {  	s9 =	sor.u32 $0xD0000000, s2;
	s6 =	simm.s32 $0x108;
	_ =	swait.ge @!p0 [sflag:s8], $0x0  }
0x24: {  	s3 =	sadd.s32 $0x88, s3;
	s6 =	simm.s32 @!p1 $0x1082;
	[sflag:s4] =	ssyncset.s32 $0xFFFFF086  }
0x25: {  	[simem:s6], [sflag:s4] =	dma.local [hbm:s3], $0xF7A  }
0x26: {  	[smem:$0x3F98] =	sst s1;
	(tag) =	ssettag s2;
	_ =	strace s9  }
0x27: {  	s1 =	sld [smem:$0x3FA8]  }
0x28: {  	s2 =	sld [smem:$0x3FA9]  }
0x29: {  	s4 =	sld [smem:$0x3FAB]  }
0x2a: {  	p0 =	seq.s32 s5, $0x0;
	s5 =	sld [smem:$0x3FAC]  }
0x2b: {  	s6 =	sld [smem:$0x3FAD]  }
0x2c: {  	s7 =	sld [smem:$0x3FAE]  }
0x2d: {  	s3 =	simm.s32 $0x108;
	s8 =	sld [smem:$0x3FAF]  }
0x2e: {  	s3 =	simm.s32 @!p0 $0x1082;
	s9 =	sld [smem:$0x3FB0]  }
0x2f: {  	lr =	sadd.s32 s0, s3;
	s0 =	sld [smem:$0x3FA7]  }
0x30: {  	s3 =	sld [smem:$0x3FAA]  }
0x31: {  	[smem:$0x3FB3] =	sst s10  }
0x32: {  	s10 =	sld [smem:$0x3FB1];
	_ =	sdelay $0x3  }
0x33: {  	p0 =	seq.s32 s10, $0x1;
	s10 =	sld [smem:$0x3FB3];
	_ =	sdelay $0x3  }
0x34: {  	[smem:$0x3FB3] =	sst s10  }
0x35: {  	s10 =	sld [smem:$0x3FB2];
	_ =	sdelay $0x3  }
0x36: {  	p1 =	seq.s32 s10, $0x1;
	s10 =	sld [smem:$0x3FB3];
	_ =	sdelay $0x3  }
0x37: {  	[smem:$0x3FB3] =	sst s10  }
0x38: {  	s10 =	sld [smem:$0x3FB4]  }
0x39: {  	_ = 	snop;
	(pc) =	sbr.ind lr, $3  }
0x3a: {  	_ = 	snop  }
0x3b: {  	_ = 	snop  }
0x3c: {  	p2 =	seq.s32 s10, $0x1;
	s10 =	sld [smem:$0x3FB3]  }
0x3d: {  	_ =	shalt  }
0x3e: {  	_ =	shalt  }
0x3f: {  	_ =	shalt  }
0x40: {  	_ =	shalt  }
0x41: {  	_ =	shalt  }
0x42: {  	_ =	shalt  }
0x43: {  	_ =	shalt  }
0x44: {  	_ =	shalt  }
0x45: {  	_ =	shalt  }
0x46: {  	_ =	shalt  }
0x47: {  	_ =	shalt  }
0x48: {  	_ =	shalt  }
0x49: {  	_ =	shalt  }
0x4a: {  	_ =	shalt  }
0x4b: {  	_ =	shalt  }
0x4c: {  	_ =	shalt  }
0x4d: {  	_ =	shalt  }
0x4e: {  	_ =	shalt  }
0x4f: {  	_ =	shalt  }
0x50: {  	_ =	shalt  }
0x51: {  	_ =	shalt  }
0x52: {  	_ =	shalt  }
0x53: {  	_ =	shalt  }
0x54: {  	_ =	shalt  }
0x55: {  	_ =	shalt  }
0x56: {  	_ =	shalt  }
0x57: {  	_ =	shalt  }
0x58: {  	_ =	shalt  }
0x59: {  	_ =	shalt  }
0x5a: {  	_ =	shalt  }
0x5b: {  	_ =	shalt  }
0x5c: {  	_ =	shalt  }
0x5d: {  	_ =	shalt  }
0x5e: {  	_ =	shalt  }
0x5f: {  	_ =	shalt  }
0x60: {  	_ =	shalt  }
0x61: {  	_ =	shalt  }
0x62: {  	_ =	shalt  }
0x63: {  	_ =	shalt  }
0x64: {  	_ =	shalt  }
0x65: {  	_ =	shalt  }
0x66: {  	_ =	shalt  }
0x67: {  	_ =	shalt  }
0x68: {  	_ =	shalt  }
0x69: {  	_ =	shalt  }
0x6a: {  	_ =	shalt  }
0x6b: {  	_ =	shalt  }
0x6c: {  	_ =	shalt  }
0x6d: {  	_ =	shalt  }
0x6e: {  	_ =	shalt  }
0x6f: {  	_ =	shalt  }
0x70: {  	_ =	shalt  }
0x71: {  	_ =	shalt  }
0x72: {  	_ =	shalt  }
0x73: {  	_ =	shalt  }
0x74: {  	_ =	shalt  }
0x75: {  	_ =	shalt  }
0x76: {  	_ =	shalt  }
0x77: {  	_ =	shalt  }
0x78: {  	_ =	shalt  }
0x79: {  	_ =	shalt  }
0x7a: {  	_ =	shalt  }
0x7b: {  	_ =	shalt  }
0x7c: {  	_ =	shalt  }
0x7d: {  	_ =	shalt  }
0x7e: {  	_ =	shalt  }
0x7f: {  	_ =	shalt  }
0x80: {  	_ =	shalt  }
0x81: {  	_ =	shalt  }
0x82: {  	_ =	shalt  }
0x83: {  	_ =	shalt  }
0x84: {  	_ =	shalt  }
0x85: {  	_ =	shalt  }
0x86: {  	_ =	shalt  }
0x87: {  	_ =	shalt  }
.Lfunc_end0:
.L_simem_size_0:
called_computation_lowered:
.L_overlay_start_0:
0x88: {  	s2 =	sld [smem:$0x3FD9]  }
0x89: {  	s3 =	sld [smem:$0x3FFE];
	_ =	sdelay $0x1  }
0x8a: {  	s1 =	srdreg.scid  }
0x8b: {  	s0 =	sand.u32 $0x1, s1  }
0x8c: {  	s17 =	sshll.u32 s0, $0xA;
	s2 =	sadd.s32 s3, s2  }
0x8d: {  	s2 =	sadd.s32 s2, s17  }
0x8e: {  	[smem:$0x3FBF] =	sst s2  }
0x8f: {  	_ = 	snop  }
0x90: {  	s2 =	sld [smem:$0x3FC9]  }
0x91: {  	s18 =	sld [smem:$0x3FD0];
	(tm) =	ssettm $0x1  }
0x92: {  	s4 =	sld [smem:$0x3FFB];
	_ =	sdelay $0x3  }
0x93: {  	_ =	strace s4  }
0x94: {  	s4 =	sld [smem:$0x3FFC];
	_ =	sdelay $0x3  }
0x95: {  	_ =	strace s4  }
0x96: {  	s4 =	sld [smem:$0x3FFD];
	_ =	sdelay $0x3  }
0x97: {  	_ =	strace s4  }
0x98: {  	_ =	strace $0x8FFFFFFF  }
0x99: {  	s19 =	sld [smem:$0x3FDB];
	_ =	sdelay $0x1  }
0x9a: {  	s5 =	simm.s32 $_scs_section_size  }
0x9b: {  	s6 =	simm.s32 $_size__tile_overlayer_lowered;
	s7 =	simm.s32 $_tile_overlayer_lowered  }
0x9c: {  	s22 =	simm.s32 $0x1BFF;
	s21 =	sshll.u32 s7, $0x1;
	s4 =	sadd.s32 s5, s19  }
0x9d: {  	s8 =	simm.s32 $0x0;
	s20 =	sshll.u32 s6, $0x1;
	s6 =	sadd.s32 s21, s4  }
0x9e: {  	[timem:s8], [sflag:s22] =	dma.local [hbm:s6], s20  }
0x9f: {  	_ =	swait.ge [sflag:s22], s20  }
0xa0: {  	s5 =	ssub.s32 $0x0, s20;
	[sflag:s22] =	ssyncset.done $0x0  }
0xa1: {  	[sflag:s22] =	ssyncadd.s32 s5;
	_ =	sdelay $0x1  }
0xa2: {  	s23 =	simm.s32 $0x1B8B  }
0xa3: {  	_ =	swait.ge [sflag:s23], $0x1  }
0xa4: {  	[sflag:s23] =	ssyncset.done $0x0  }
0xa5: {  	s25 =	simm.s32 $0x1B8E;
	s24 =	sld [smem:$0x3FFE];
	[sflag:s23] =	ssyncadd.s32 $0xFFFFFFFF  }
0xa6: {  	s26 =	simm.s32 $execute0_lowered;
	[smem:$0x3FD2] =	sst s25  }
0xa7: {  	s6 =	sshll.u32 s26, $0x1;
	_ =	strace $0x80000046;
	[dreg:$0x1] =	wrdreg $0xFFFFFFFF  }
0xa8: {  	s28 =	simm.s32 $_size_execute0_lowered;
	s4 =	sadd.s32 s4, s6;
	[dreg:$0x0] =	wrdreg $0x0  }
0xa9: {  	s6 =	sshll.u32 s28, $0x1;
	[dreg:$0x2] =	wrdreg s4  }
0xaa: {  	[dreg:$0x3] =	wrdreg s6  }
0xab: {  	[dreg:$0x4] =	wrdreg $0xC0  }
0xac: {  	_ =	task [dreg:s8], $0x5FFFF  }
0xad: {  	[dreg:$0x1] =	wrdreg $0xFFFFFFFF  }
0xae: {  	[dreg:$0x0] =	wrdreg $0x60  }
0xaf: {  	[dreg:$0x2] =	wrdreg s2  }
0xb0: {  	[dreg:$0x3] =	wrdreg s24  }
0xb1: {  	[dreg:$0x4] =	wrdreg s18  }
0xb2: {  	[dreg:$0x5] =	wrdreg $0xB8800  }
0xb3: {  	[dreg:$0x6] =	wrdreg $0x1F8800  }
0xb4: {  	[dreg:$0x7] =	wrdreg $0x9  }
0xb5: {  	_ =	task.clear_ibuf [dreg:s8], $0x8FFFF;
	_ =	strace $0x90000046  }
0xb6: {  	s29 =	simm.s32 $0x9;
	_ =	strace $0x80000048  }
0xb7: {  	_ =	swait.ge [sflag:s29], $0x1  }
0xb8: {  	[sflag:s29] =	ssyncadd.s32 $0xFFFFFFFF  }
0xb9: {  	_ =	strace $0x90000048  }
0xba: {  	_ =	sfence  }
0xbb: {  	s30 =	sld [smem:$0x0];
	_ =	sdelay $0x2  }
0xbc: {  	s31 =	sshll.u32 s1, $0xD;
	s1 =	sshrl.u32 s1, $0x2  }
0xbd: {  	s3 =	sand.u32 $0x4000, s31;
	s1 =	sadd.s32 s1, s30  }
0xbe: {  	s0 =	sor.u32 s3, s0;
	s1 =	sshll.u32 s1, $0x11  }
0xbf: {  	s0 =	sor.u32 s1, s0  }
0xc0: {  	s0 =	sadd.s32 $0x8F2B, s0  }
0xc1: {  	[sflag:s0] =	ssyncadd.remote.s32 $0x1  }
0xc2: {  	_ =	sfence.sel $0xFFFF  }
0xc3: {  	[dreg:$0x0] =	wrdreg $0xFFFFFFFF;
	(pc) =	sbr.abs _section_cstart, $3  }
0xc4: {  	[dreg:$0x1] =	wrdreg $0xFFFFFFFF  }
0xc5: {  	_ =	task.clear_ibuf [dreg:s8], $0x2FFFF;
	_ =	strace $0x9FFFFFFF  }
0xc6: {  	(tm) =	ssettm $0x7FFFFFFF  }
0xc7: {  	_ =	shalt  }
tec
execute0_lowered:
.L_overlay_start_1:
0x0: {  	(tag) =	ssettag $0x1  }
0x1: {  	s1 =	rddreg [dreg:$0x0]  }
0x2: {  	s0 =	rddreg [dreg:$0x1]  }
0x3: {  	s3 =	rddreg [dreg:$0x3]  }
0x4: {  	s4 =	rddreg [dreg:$0x4];
	s5 =	simm.s32 $0x0;
	s13 =	stileid.u32  }
0x5: {  	s2 =	srdreg.scid;
	s28 =	simm.s32 $0x7800;
	s6 =	smul.u32 $0x14000, s13  }
0x6: {  	s29 =	simm.s32 $0x20;
	s30 =	simm.s32 $0x10;
	s9 =	smul.u32 $0x500, s13  }
0x7: {  	s31 =	simm.s32 $0x0;
	[smem:$0x7FF] =	sst s5;
	s10 =	smul.u32 $0x50000, s13  }
0x8: {  	s2 =	sand.u32 $0x1, s2;
	s14 =	sadd.s32 $0xBC00, s0;
	s11 =	smul.u32 $0xA00, s13  }
0x9: {  	s15 =	sadd.s32 $0x1C00, s0;
	s7 =	sadd.s32 $0x15C00, s0;
	s12 =	smul.u32 $0x1400, s13  }
0xa: {  	s8 =	sadd.s32 $0x16400, s0;
	s23 =	sshll.u32 s13, $0x6;
	s13 =	smul.u32 $0x780, s13  }
0xb: {  	s18 =	smul.u32 $0x140000, s2;
	_ =	strace $0x80000047;
	s20 =	ssub.s32 $0x2, s2  }
0xc: {  	s19 =	sshll.u32 s2, $0x7;
	p0 =	seq.s32 s2, $0x1;
	s21 =	sshrl.u32 s20, $0x1  }
0xd: {  	s22 =	sshrl.u32 s10, $0x2;
	s10 =	sor.u32 $0x1C01, s23;
	s11 =	sshrl.u32 s11, $0x2  }
0xe: {  	s16 =	sshrl.u32 s12, $0x3;
	s24 =	sadd.s32 s14, s13;
	s26 =	sadd.s32 s15, s13  }
0xf: {  	s5 =	sadd.s32 s6, s18;
	s6 =	sor.u32 s19, s9;
	s9 =	sadd.s32 s22, s3  }
0x10: {  	s11 =	sadd.s32 s11, s4;
	[dreg:$0x6] =	wrdreg s24;
	s25 =	sadd.s32 $0x7800, s16  }
0x11: {  	[dreg:$0x7] =	wrdreg s26;
	s19 =	simm.s32 $0x1;
	s24 =	simm.s32 $0xB800  }
0x12: {  	s26 =	simm.s32 $0x80;
	s5 =	sshrl.u32 s5, $0x3;
	s6 =	sshrl.u32 s6, $0x3  }
0x13: {  	s22 =	sadd.s32 $0xC000, s9;
	s23 =	sadd.s32 $0x10000, s9;
	s14 =	sadd.s32 s14, s25  }
.Ltmp0:
0x14: {  	s15 =	sadd.s32 s15, s25;
	s25 =	simm.s32 $0x3C00;
	(pc) =	sbr.rel .LBB2_1-.Ltmp0, $4  }
0x15: {  	s5 =	sadd.s32 s5, s0;
	s0 =	sadd.s32 s6, s0;
	s6 =	ssub.s32 s20, s21  }
0x16: {  	s20 =	sadd.s32 $0x4000, s9;
	s21 =	sadd.s32 $0x8000, s9;
	s22 =	sshrl.u32 s22, $0x3  }
0x17: {  	s23 =	sshrl.u32 s23, $0x3;
	s16 =	sadd.s32 $0x16600, s5;
	s17 =	sadd.s32 $0x66600, s0  }
0x18: {  	s18 =	smax.u32 s6, $0x1;
	s20 =	sshrl.u32 s20, $0x3;
	s21 =	sshrl.u32 s21, $0x3  }
.LBB2_7:
0x19: {  	s2 =	sshra.s32 s2, $0x2;
	[sflag:s19] =	ssyncadd.s32 $0xFFFFFF80  }
0x1a: {  	[tilespmem:s28], [sflag:$0x1] =	stream.indirect.gather [hbm4b:s1+s26], $0x80, s2, s26, $0xb8;
	[tilespmem:$0x1FB00] =	vst v63  }
0x1b: {  	_ =	swait.ge [sflag:s19], $0x4000  }
0x1c: {  	[sflag:s19] =	ssyncset.done $0x0  }
0x1d: {  	s2 =	sadd.s32 $0x3C00, s2;
	[sflag:s19] =	ssyncadd.s32 $0xFFFFC000  }
0x1e: {  	[spmem:s3] =	stream.indirect.scatter.add.f32 [tilespmem:s28], [sflag:$0x1], $0x80, s2, s26, $0xb8;
	[tilespmem:$0x1FB00] =	vst v63  }
0x1f: {  	_ =	swait.ge [sflag:s19], $0x4000  }
0x20: {  	[sflag:s19] =	ssyncset.done $0x0  }
0x21: {  	[sflag:s19] =	ssyncadd.s32 $0xFFFFC000  }
0x22: {  	[spmem:s4] =	stream.indirect.scatter.add.f32 [tilespmem:s24], [sflag:$0x1], $0x1, s2, s26, $0xb8;
	[tilespmem:$0x1FB00] =	vst v63  }
0x23: {  	_ =	swait.ge [sflag:s19], $0x80  }
0x24: {  	[sflag:s19] =	ssyncset.done $0x0  }
0x25: {  	[sflag:s19] =	ssyncadd.s32 $0xFFFFFF80  }
.LBB2_8:
0x26: {  	[bflag:$0x0] =	sbarrier.arrive $0xFFFF  }
0x27: {  	[hbm:s16], [sflag:s10] =	dma.local [spmem:s0], $0x2800  }
0x28: {  	s31 =	sadd.s32 $0x1, s31;
	_ =	swait.ge [sflag:s19], $0x2800  }
0x29: {  	p1 =	sne.s32 s31, s18;
	[sflag:s19] =	ssyncset.done $0x0  }
.Ltmp1:
0x2a: {  	[sflag:s19] =	ssyncadd.s32 $0xFFFFD800;
	(pc) =	sbr.rel @!p1 .LBB2_9-.Ltmp1, $4  }
0x2b: {  	[hbm:s17@s29], [sflag:s10] =	dma.strided [spmem:s5@s30], $0x50, s19, $0x10   }
0x2c: {  	_ =	swait.ge [sflag:s19], $0x50  }
0x2d: {  	[sflag:s19] =	ssyncset.done $0x0  }
0x2e: {  	[sflag:s19] =	ssyncadd.s32 $0xFFFFFFB0  }
.LBB2_1:
0x2f: {  	s0 =	sshrl.u32 s9, $0x3  }
0x30: {  	[spmem:s0], [sflag:s10] =	dma.local [hbm:s7], $0x800  }
0x31: {  	_ =	swait.ge [sflag:s19], $0x800  }
0x32: {  	[sflag:s19] =	ssyncset.done $0x0  }
0x33: {  	[sflag:s19] =	ssyncadd.s32 $0xFFFFF800  }
0x34: {  	[spmem:s20], [sflag:s10] =	dma.local [hbm:s7], $0x800  }
0x35: {  	_ =	swait.ge [sflag:s19], $0x800  }
0x36: {  	[sflag:s19] =	ssyncset.done $0x0  }
0x37: {  	[sflag:s19] =	ssyncadd.s32 $0xFFFFF800  }
0x38: {  	[spmem:s21], [sflag:s10] =	dma.local [hbm:s7], $0x800  }
0x39: {  	_ =	swait.ge [sflag:s19], $0x800  }
0x3a: {  	[sflag:s19] =	ssyncset.done $0x0  }
0x3b: {  	[sflag:s19] =	ssyncadd.s32 $0xFFFFF800  }
0x3c: {  	[spmem:s22], [sflag:s10] =	dma.local [hbm:s7], $0x800  }
0x3d: {  	_ =	swait.ge [sflag:s19], $0x800  }
0x3e: {  	[sflag:s19] =	ssyncset.done $0x0  }
0x3f: {  	[sflag:s19] =	ssyncadd.s32 $0xFFFFF800  }
0x40: {  	[spmem:s23], [sflag:s10] =	dma.local [hbm:s7], $0x800  }
0x41: {  	_ =	swait.ge [sflag:s19], $0x800  }
0x42: {  	[sflag:s19] =	ssyncset.done $0x0  }
0x43: {  	[sflag:s19] =	ssyncadd.s32 $0xFFFFF800  }
0x44: {  	s5 =	sshrl.u32 s11, $0x3;
	s2 =	rddreg [dreg:$0x2]  }
0x45: {  	[spmem:s5], [sflag:s10] =	dma.local [hbm:s2], $0x50  }
0x46: {  	_ =	swait.ge [sflag:s19], $0x50  }
0x47: {  	[sflag:s19] =	ssyncset.done $0x0  }
0x48: {  	s13 =	simm.s32 $0x0;
	[sflag:s19] =	ssyncadd.s32 $0xFFFFFFB0  }
0x49: {  	[tilespmem:s24], [sflag:$0x1] =	stream.linear.gather [hbm4b:s8+s13], $0x80, $0x38;
	[tilespmem:$0x1FB00] =	vst v63  }
.Ltmp2:
0x4a: {  	_ =	swait.ge [sflag:s19], $0x80;
	(pc) =	sbr.rel @!p0 .LBB2_2-.Ltmp2, $4  }
0x4b: {  	[sflag:s19] =	ssyncset.done $0x0  }
0x4c: {  	[sflag:s19] =	ssyncadd.s32 $0xFFFFFF80  }
0x4d: {  	[bflag:$0x0] =	sbarrier.arrive $0xFFFF  }
0x4e: {  	s2 =	simm.s32 $0x0  }
0x4f: {  	[tilespmem:s2], [sflag:$0x1] =	stream.linear.gather [hbm4b:s14+s2], $0x1400, $0x38;
	[tilespmem:$0x1FB00] =	vst v63  }
0x50: {  	_ =	swait.ge [sflag:s19], $0x1400  }
0x51: {  	[sflag:s19] =	ssyncset.done $0x0  }
0x52: {  	[sflag:s19] =	ssyncadd.s32 $0xFFFFEC00  }
0x53: {  	[tilespmem:s25], [sflag:$0x1] =	stream.linear.gather [hbm4b:s15+s2], $0x1400, $0x38;
	[tilespmem:$0x1FB00] =	vst v63  }
0x54: {  	_ =	swait.ge [sflag:s19], $0x1400  }
0x55: {  	[sflag:s19] =	ssyncset.done $0x0  }
0x56: {  	s12 =	simm.s32 $0x0;
	[sflag:s19] =	ssyncadd.s32 $0xFFFFEC00  }
0x57: {  	[tilespmem:s28], [sflag:$0x1] =	stream.indirect.gather [hbm4b:s1+s26], $0x80, s12, s26, $0xb8;
	[tilespmem:$0x1FB00] =	vst v63  }
0x58: {  	_ =	swait.ge [sflag:s19], $0x4000  }
0x59: {  	[sflag:s19] =	ssyncset.done $0x0  }
0x5a: {  	s13 =	simm.s32 $0x3C00;
	[sflag:s19] =	ssyncadd.s32 $0xFFFFC000  }
0x5b: {  	[spmem:s3] =	stream.indirect.scatter.add.f32 [tilespmem:s28], [sflag:$0x1], $0x80, s13, s26, $0xb8;
	[tilespmem:$0x1FB00] =	vst v63  }
0x5c: {  	_ =	swait.ge [sflag:s19], $0x4000  }
0x5d: {  	[sflag:s19] =	ssyncset.done $0x0  }
0x5e: {  	[sflag:s19] =	ssyncadd.s32 $0xFFFFC000  }
0x5f: {  	[spmem:s4] =	stream.indirect.scatter.add.f32 [tilespmem:s24], [sflag:$0x1], $0x1, s13, s26, $0xb8;
	[tilespmem:$0x1FB00] =	vst v63  }
0x60: {  	_ =	swait.ge [sflag:s19], $0x80  }
0x61: {  	s6 =	simm.s32 $0x400;
	s2 =	simm.s32 $0x200;
	[sflag:s19] =	ssyncset.done $0x0  }
.LBB2_6:
0x62: {  	s12 =	sshra.s32 s2, $0x2  }
0x63: {  	[sflag:s19] =	ssyncadd.s32 $0xFFFFFF80;
	s2 =	smov.u32 s6;
	s13 =	sadd.s32 $0x200, s6  }
0x64: {  	[tilespmem:s28], [sflag:$0x1] =	stream.indirect.gather [hbm4b:s1+s26], $0x80, s12, s26, $0xb8;
	[tilespmem:$0x1FB00] =	vst v63  }
0x65: {  	p1 =	sne.s32 s6, $0x4E00;
	_ =	swait.ge [sflag:s19], $0x4000  }
0x66: {  	[sflag:s19] =	ssyncset.done $0x0  }
0x67: {  	s6 =	sadd.s32 $0x3C00, s12;
	[sflag:s19] =	ssyncadd.s32 $0xFFFFC000  }
0x68: {  	[spmem:s3] =	stream.indirect.scatter.add.f32 [tilespmem:s28], [sflag:$0x1], $0x80, s6, s26, $0xb8;
	[tilespmem:$0x1FB00] =	vst v63  }
0x69: {  	_ =	swait.ge [sflag:s19], $0x4000  }
.Ltmp3:
0x6a: {  	[sflag:s19] =	ssyncset.done $0x0;
	(pc) =	sbr.rel @p1 .LBB2_6-.Ltmp3, $4  }
0x6b: {  	[sflag:s19] =	ssyncadd.s32 $0xFFFFC000  }
0x6c: {  	[spmem:s4] =	stream.indirect.scatter.add.f32 [tilespmem:s24], [sflag:$0x1], $0x1, s6, s26, $0xb8;
	[tilespmem:$0x1FB00] =	vst v63  }
0x6d: {  	_ =	swait.ge [sflag:s19], $0x80  }
0x6e: {  	s6 =	smov.u32 s13;
	[sflag:s19] =	ssyncset.done $0x0  }
.Ltmp4:
0x6f: {  	_ = 	snop;
	(pc) =	sbr.rel .LBB2_7-.Ltmp4, $1  }
0x70: {  	_ =	sdelay $0x3  }
.LBB2_2:
0x71: {  	s6 =	rddreg [dreg:$0x6]  }
0x72: {  	[tilespmem:s2], [sflag:$0x1] =	stream.linear.gather [hbm4b:s6+s2], $0x3C00, $0x38;
	[tilespmem:$0x1FB00] =	vst v63  }
0x73: {  	_ =	swait.ge [sflag:s19], $0x3C00  }
0x74: {  	[sflag:s19] =	ssyncset.done $0x0  }
0x75: {  	s13 =	rddreg [dreg:$0x7];
	[sflag:s19] =	ssyncadd.s32 $0xFFFFC400  }
0x76: {  	[tilespmem:s25], [sflag:$0x1] =	stream.linear.gather [hbm4b:s13+s2], $0x3C00, $0x38;
	[tilespmem:$0x1FB00] =	vst v63  }
0x77: {  	_ =	swait.ge [sflag:s19], $0x3C00  }
0x78: {  	[sflag:s19] =	ssyncset.done $0x0  }
0x79: {  	s12 =	simm.s32 $0x0;
	[sflag:s19] =	ssyncadd.s32 $0xFFFFC400  }
0x7a: {  	[tilespmem:s28], [sflag:$0x1] =	stream.indirect.gather [hbm4b:s1+s26], $0x80, s12, s26, $0xb8;
	[tilespmem:$0x1FB00] =	vst v63  }
0x7b: {  	_ =	swait.ge [sflag:s19], $0x4000  }
0x7c: {  	[sflag:s19] =	ssyncset.done $0x0  }
0x7d: {  	s13 =	simm.s32 $0x3C00;
	[sflag:s19] =	ssyncadd.s32 $0xFFFFC000  }
0x7e: {  	[spmem:s3] =	stream.indirect.scatter.add.f32 [tilespmem:s28], [sflag:$0x1], $0x80, s13, s26, $0xb8;
	[tilespmem:$0x1FB00] =	vst v63  }
0x7f: {  	_ =	swait.ge [sflag:s19], $0x4000  }
0x80: {  	[sflag:s19] =	ssyncset.done $0x0  }
0x81: {  	[sflag:s19] =	ssyncadd.s32 $0xFFFFC000  }
0x82: {  	[spmem:s4] =	stream.indirect.scatter.add.f32 [tilespmem:s24], [sflag:$0x1], $0x1, s13, s26, $0xb8;
	[tilespmem:$0x1FB00] =	vst v63  }
0x83: {  	_ =	swait.ge [sflag:s19], $0x80  }
0x84: {  	s6 =	simm.s32 $0x400;
	s2 =	simm.s32 $0x200;
	[sflag:s19] =	ssyncset.done $0x0  }
.LBB2_3:
0x85: {  	s12 =	sshra.s32 s2, $0x2  }
0x86: {  	[sflag:s19] =	ssyncadd.s32 $0xFFFFFF80;
	s2 =	smov.u32 s6;
	s13 =	sadd.s32 $0x200, s6  }
0x87: {  	[tilespmem:s28], [sflag:$0x1] =	stream.indirect.gather [hbm4b:s1+s26], $0x80, s12, s26, $0xb8;
	[tilespmem:$0x1FB00] =	vst v63  }
0x88: {  	p1 =	seq.s32 s6, $0xEE00;
	_ =	swait.ge [sflag:s19], $0x4000  }
0x89: {  	[sflag:s19] =	ssyncset.done $0x0  }
0x8a: {  	s6 =	sadd.s32 $0x3C00, s12;
	[sflag:s19] =	ssyncadd.s32 $0xFFFFC000  }
0x8b: {  	[spmem:s3] =	stream.indirect.scatter.add.f32 [tilespmem:s28], [sflag:$0x1], $0x80, s6, s26, $0xb8;
	[tilespmem:$0x1FB00] =	vst v63  }
0x8c: {  	_ =	swait.ge [sflag:s19], $0x4000  }
.Ltmp5:
0x8d: {  	[sflag:s19] =	ssyncset.done $0x0;
	(pc) =	sbr.rel @!p1 .LBB2_3-.Ltmp5, $4  }
0x8e: {  	[sflag:s19] =	ssyncadd.s32 $0xFFFFC000  }
0x8f: {  	[spmem:s4] =	stream.indirect.scatter.add.f32 [tilespmem:s24], [sflag:$0x1], $0x1, s6, s26, $0xb8;
	[tilespmem:$0x1FB00] =	vst v63  }
0x90: {  	_ =	swait.ge [sflag:s19], $0x80  }
0x91: {  	s6 =	smov.u32 s13;
	[sflag:s19] =	ssyncset.done $0x0  }
0x92: {  	s2 =	sshra.s32 s2, $0x2;
	[sflag:s19] =	ssyncadd.s32 $0xFFFFFF80  }
0x93: {  	[tilespmem:s28], [sflag:$0x1] =	stream.indirect.gather [hbm4b:s1+s26], $0x80, s2, s26, $0xb8;
	[tilespmem:$0x1FB00] =	vst v63  }
0x94: {  	_ =	swait.ge [sflag:s19], $0x4000  }
0x95: {  	[sflag:s19] =	ssyncset.done $0x0  }
0x96: {  	s2 =	sadd.s32 $0x3C00, s2;
	[sflag:s19] =	ssyncadd.s32 $0xFFFFC000  }
0x97: {  	[spmem:s3] =	stream.indirect.scatter.add.f32 [tilespmem:s28], [sflag:$0x1], $0x80, s2, s26, $0xb8;
	[tilespmem:$0x1FB00] =	vst v63  }
0x98: {  	_ =	swait.ge [sflag:s19], $0x4000  }
0x99: {  	[sflag:s19] =	ssyncset.done $0x0  }
.Ltmp6:
0x9a: {  	[sflag:s19] =	ssyncadd.s32 $0xFFFFC000;
	(pc) =	sbr.rel .LBB2_8-.Ltmp6, $4  }
0x9b: {  	[spmem:s4] =	stream.indirect.scatter.add.f32 [tilespmem:s24], [sflag:$0x1], $0x1, s2, s26, $0xb8;
	[tilespmem:$0x1FB00] =	vst v63  }
0x9c: {  	_ =	swait.ge [sflag:s19], $0x80  }
0x9d: {  	[sflag:s19] =	ssyncset.done $0x0  }
0x9e: {  	[sflag:s19] =	ssyncadd.s32 $0xFFFFFF80  }
.LBB2_9:
0x9f: {  	_ =	sfence.sel $0x180000  }
0xa0: {  	[bflag:$0x0] =	sbarrier.arrive $0xFFFF  }
0xa1: {  	_ =	strace $0x90000047  }
0xa2: {  	s0 =	stileid.u32;
	[bflag:$0x2] =	sbarrier.arrive $0xFFFF  }
0xa3: {  	p0 =	sne.s32 s0, $0x0;
	s0 =	rddreg [dreg:$0x5]  }
0xa4: {  	s0 =	sadd.s32 @!p0 $0x100000, s0  }
0xa5: {  	[sflag:s0] =	ssyncadd.tile.s32 @!p0 $0x1;
	_ =	shalt  }
.Lfunc_end2:
_tile_overlayer_lowered:
.L_overlay_start_2:
0xa6: {  	(tag) =	ssettag $0x2  }
0xa7: {  	s0 =	rddreg [dreg:$0x0];
	s2 =	stileid.u32  }
0xa8: {  	s1 =	rddreg [dreg:$0x1];
	p0 =	sne.s32 s2, $0x0  }
0xa9: {  	s3 =	rddreg [dreg:$0x2];
	[bflag:$0x3] =	sbarrier.arrive $0xFFFF;
	s2 =	simm.s32 @!p0 $0x1C01  }
0xaa: {  	[timem:s3], [sflag:s2] =	dma.local @!p0 [hbm:s0], s1  }
0xab: {  	s0 =	simm.s32 @!p0 $0x1  }
0xac: {  	_ =	swait.ge @!p0 [sflag:s0], s1  }
0xad: {  	s1 =	ssub.s32 @!p0 $0x0, s1;
	[sflag:s0] =	ssyncset.done @!p0 $0x0  }
0xae: {  	[sflag:s0] =	ssyncadd.s32 @!p0 s1  }
0xaf: {  	[bflag:$0x3] =	sbarrier.arrive $0xFFFF  }
0xb0: {  	_ =	shalt  }

</sc_bundles>
